<compile_context>
chip_gen: v7x
topology: tpu7x:2x2x1
jax: 0.10.2.dev20260603
libtpu: 0.0.44.dev20260713+nightly
codegen_flags: <defaults>
</compile_context>

<pallas_src>
import functools

import jax
import jax.numpy as jnp
import numpy as np
from jax import lax
from jax.experimental import pallas as pl
from jax.experimental.pallas import tpu as pltpu
from jax.experimental.pallas import tpu_sc as plsc

_VOCAB = 100000
_DIM = 64
_B = 4096
_T = 200
_PAD = 0

_NC, _NS, _L = 2, 16, 16
_NW = _NC * _NS
_SEQ_PER_W = _B // _NW
_GROUPS = _SEQ_PER_W // _L

_SROWS = 784
_TCG = 7
_VB = _SROWS // _TCG * 128

_POS_IDS = (10, 12, 13, 14, 43, 44)
_NEG_IDS = (11, 15, 45, 46)
_NBITS = len(_POS_IDS) + len(_NEG_IDS)

_bits_np = np.zeros((64,), dtype=np.int32)
for _k, _v in enumerate(_POS_IDS + _NEG_IDS):
    _bits_np[_v] = 1 << _k


def _tc_head_body(w_ref, b_ref, tab_ref, out_ref):
    i = pl.program_id(0)
    s = jnp.sum(tab_ref[...] * w_ref[...], axis=1) + b_ref[0, 0]

    @pl.when(i == 0)
    def _():
        row = lax.broadcasted_iota(jnp.int32, (_VB,), 0)
        out_ref[...] = jnp.where(row == _PAD, b_ref[0, 0], s).reshape(
            _VB // 128, 128)

    @pl.when(i != 0)
    def _():
        out_ref[...] = s.reshape(_VB // 128, 128)


def _head_scores(W, b, table):
    return pl.pallas_call(
        _tc_head_body,
        grid=(_TCG,),
        in_specs=[
            pl.BlockSpec((1, _DIM), lambda i: (0, 0)),
            pl.BlockSpec((1, 1), lambda i: (0, 0)),
            pl.BlockSpec((_VB, _DIM), lambda i: (i, 0)),
        ],
        out_specs=pl.BlockSpec((_VB // 128, 128), lambda i: (i, 0)),
        out_shape=jax.ShapeDtypeStruct((_SROWS, 128), jnp.float32),
    )(W, b.reshape(1, 1), table)


_sc_mesh = plsc.VectorSubcoreMesh(
    core_axis_name="c", subcore_axis_name="s",
    num_cores=_NC, num_subcores=_NS)


@functools.partial(
    pl.kernel,
    out_type=jax.ShapeDtypeStruct((_B,), jnp.float32),
    mesh=_sc_mesh,
    compiler_params=pltpu.CompilerParams(needs_layout_passes=False),
    scratch_types=[
        pltpu.VMEM((_SROWS, 128), jnp.float32),
        pltpu.VMEM((64,), jnp.int32),
        pltpu.VMEM((_SEQ_PER_W * _T,), jnp.int32),
        pltpu.VMEM((_SEQ_PER_W,), jnp.float32),
        pltpu.SemaphoreType.DMA,
        pltpu.SemaphoreType.DMA,
        pltpu.SemaphoreType.DMA,
    ],
)
def _sc_reward(s_hbm, bits_hbm, ids_hbm, out_hbm, s_v, bits_v, ids_v, rew_v,
               sem0, sem1, sem2):
    wid = lax.axis_index("s") * _NC + lax.axis_index("c")
    row0 = wid * _SEQ_PER_W
    tok0 = wid * (_SEQ_PER_W * _T)
    c0 = pltpu.async_copy(ids_hbm.at[pl.ds(tok0, _SEQ_PER_W * _T)], ids_v,
                          sem0)
    c1 = pltpu.async_copy(s_hbm, s_v, sem1)
    c2 = pltpu.async_copy(bits_hbm, bits_v, sem2)
    c0.wait()
    c1.wait()
    c2.wait()

    lanes = lax.iota(jnp.int32, 16)
    inv_t = jnp.full((_L,), 1.0 / _T, dtype=jnp.float32)
    for g in range(_GROUPS):
        base = (g * _L) * _T + lanes * _T

        def body(t, carry, base=base):
            acc, m = carry
            vid = plsc.load_gather(ids_v, [base + t])
            acc = acc + plsc.load_gather(s_v, [vid >> 7, vid & 127])
            m = m | plsc.load_gather(bits_v, [jnp.minimum(vid, 63)])
            return acc, m

        acc, m = lax.fori_loop(
            0, _T, body,
            (jnp.zeros((_L,), jnp.float32), jnp.zeros((_L,), jnp.int32)))

        cnt = jnp.zeros((_L,), jnp.int32)
        for k in range(len(_POS_IDS)):
            cnt = cnt + ((m >> k) & 1)
        for k in range(len(_POS_IDS), _NBITS):
            cnt = cnt - ((m >> k) & 1)
        rew_v[pl.ds(g * _L, _L)] = acc * inv_t + 0.5 * cnt.astype(jnp.float32)

    pltpu.sync_copy(rew_v, out_hbm.at[pl.ds(row0, _SEQ_PER_W)])


def kernel(input_ids, table, W, b):
    ids = input_ids.reshape(-1).astype(jnp.int32)
    s2d = _head_scores(W, b, table)
    bits = jnp.asarray(_bits_np)
    return _sc_reward(s2d, bits, ids)

# --- scband reference (transcript-rebuilt; emitter-appended) ---
"""Pipeline reference for scband-mock-reward-model-36532991819889 (READ-ONLY COPY).

The authoritative reference and input builder live on the scoring server;
editing this copy changes nothing except your own understanding.
"""

import jax, jax.numpy as jnp
import numpy as np

VOCAB = 100000
DIM = 64
B = 4096
T = 200
PAD_ID = 0


def setup_inputs(seed: int = 0) -> dict:
    key = jax.random.key(seed)
    k1, k2, k3 = jax.random.split(key, 3)
    input_ids = jax.random.randint(k1, (B, T), 0, VOCAB)
    table = jax.random.normal(k2, (VOCAB, DIM), dtype=jnp.float32)
    table = table.at[PAD_ID].set(0.0)  # padding_idx row is zeros
    W = jax.random.normal(k3, (1, DIM), dtype=jnp.float32) * 0.05
    b = jnp.zeros((1,), dtype=jnp.float32)
    return {"input_ids": input_ids, "table": table, "W": W, "b": b}


def reference(input_ids, table, W, b):
    # nn.Embedding with padding_idx: pad row contributes zeros
    pad_mask = jnp.ones((table.shape[0], 1), dtype=table.dtype).at[PAD_ID].set(0.0)
    table_eff = table * pad_mask
    x = jnp.take(table_eff, input_ids, axis=0)          # [B, T, D] gather
    x = x.mean(axis=1)                                   # [B, D]
    reward = (x @ W.T + b).squeeze(-1)                   # [B]
    # rule-based bonus (computed under no_grad in torch -> constant)
    pos_ids = jnp.array([10, 12, 13, 14, 43, 44], dtype=input_ids.dtype)
    neg_ids = jnp.array([11, 15, 45, 46], dtype=input_ids.dtype)
    pos_present = jnp.any(input_ids[:, :, None] == pos_ids[None, None, :], axis=1)  # [B, 6]
    neg_present = jnp.any(input_ids[:, :, None] == neg_ids[None, None, :], axis=1)  # [B, 4]
    bonus = 0.5 * pos_present.sum(axis=-1).astype(reward.dtype) \
          - 0.5 * neg_present.sum(axis=-1).astype(reward.dtype)
    reward = reward + jax.lax.stop_gradient(bonus)
    return reward

if __name__ == "__main__":
    import jax
    _d = setup_inputs()
    print(jax.jit(kernel)(*tuple(_d.values())))

</pallas_src>

<mosaic_0001>
#map = affine_map<(d0, d1) -> (0, 0)>
#map1 = affine_map<(d0, d1) -> (0)>
module attributes {stable_mosaic.version = 14 : i64} {
  func.func @_sc_reward(%arg0: i32, %arg1: i32, %arg2: memref<784x128xf32, #tpu.memory_space<hbm>>, %arg3: memref<64xi32, #tpu.memory_space<hbm>>, %arg4: memref<819200xi32, #tpu.memory_space<hbm>>, %arg5: memref<4096xf32, #tpu.memory_space<hbm>>, %arg6: memref<784x128xf32, #tpu.memory_space<vmem>>, %arg7: memref<64xi32, #tpu.memory_space<vmem>>, %arg8: memref<25600xi32, #tpu.memory_space<vmem>>, %arg9: memref<128xf32, #tpu.memory_space<vmem>>, %arg10: memref<!tpu.dma_semaphore, #tpu.memory_space<semaphore_mem>>, %arg11: memref<!tpu.dma_semaphore, #tpu.memory_space<semaphore_mem>>, %arg12: memref<!tpu.dma_semaphore, #tpu.memory_space<semaphore_mem>>) attributes {dimension_semantics = [#tpu.dimension_semantics<core_parallel>, #tpu.dimension_semantics<subcore_parallel>], iteration_bounds = array<i64: 2, 16>, scalar_prefetch = 0 : i64, scratch_operands = 7 : i64, tpu.core_type = #tpu.core_type<sc_vector_subcore>, window_params = [{transform_indices = #map}, {transform_indices = #map1}, {transform_indices = #map1}, {transform_indices = #map1}]} {
    %mul3A = arith.constant 2 : i32
    %mul3A_0 = arith.muli %arg1, %mul3A : i32
    %add3A = arith.addi %mul3A_0, %arg0 : i32
    %mul3A_1 = arith.constant 128 : i32
    %mul3A_2 = arith.muli %add3A, %mul3A_1 : i32
    %mul3A_3 = arith.constant 25600 : i32
    %mul3A_4 = arith.muli %add3A, %mul3A_3 : i32
    %dma_start3A = tpu.memref_slice %arg4[%mul3A_4] : memref<819200xi32, #tpu.memory_space<hbm>> -> memref<25600xi32, #tpu.memory_space<hbm>>
    %dma_start3A_5 = tpu.memref_slice %arg4[%mul3A_4] : memref<819200xi32, #tpu.memory_space<hbm>> -> memref<25600xi32, #tpu.memory_space<hbm>>
    tpu.enqueue_dma source(%dma_start3A_5 : memref<25600xi32, #tpu.memory_space<hbm>>) target(%arg8 : memref<25600xi32, #tpu.memory_space<vmem>>) target_semaphore(%arg10 : memref<!tpu.dma_semaphore, #tpu.memory_space<semaphore_mem>>)
    tpu.enqueue_dma source(%arg2 : memref<784x128xf32, #tpu.memory_space<hbm>>) target(%arg6 : memref<784x128xf32, #tpu.memory_space<vmem>>) target_semaphore(%arg11 : memref<!tpu.dma_semaphore, #tpu.memory_space<semaphore_mem>>)
    tpu.enqueue_dma source(%arg3 : memref<64xi32, #tpu.memory_space<hbm>>) target(%arg7 : memref<64xi32, #tpu.memory_space<vmem>>) target_semaphore(%arg12 : memref<!tpu.dma_semaphore, #tpu.memory_space<semaphore_mem>>)
    %dma_wait3A = tpu.memref_slice %arg4[%mul3A_4] : memref<819200xi32, #tpu.memory_space<hbm>> -> memref<25600xi32, #tpu.memory_space<hbm>>
    %dma_wait3A_6 = tpu.memref_slice %arg4[%mul3A_4] : memref<819200xi32, #tpu.memory_space<hbm>> -> memref<25600xi32, #tpu.memory_space<hbm>>
    tpu.wait_dma2 semaphore(%arg10 : memref<!tpu.dma_semaphore, #tpu.memory_space<semaphore_mem>>) src(%dma_wait3A_6 : memref<25600xi32, #tpu.memory_space<hbm>>) dst(%arg8 : memref<25600xi32, #tpu.memory_space<vmem>>)
    tpu.wait_dma2 semaphore(%arg11 : memref<!tpu.dma_semaphore, #tpu.memory_space<semaphore_mem>>) src(%arg2 : memref<784x128xf32, #tpu.memory_space<hbm>>) dst(%arg6 : memref<784x128xf32, #tpu.memory_space<vmem>>)
    tpu.wait_dma2 semaphore(%arg12 : memref<!tpu.dma_semaphore, #tpu.memory_space<semaphore_mem>>) src(%arg3 : memref<64xi32, #tpu.memory_space<hbm>>) dst(%arg7 : memref<64xi32, #tpu.memory_space<vmem>>)
    %iota3A = tpu.iota {dimensions = array<i32: 0>} : vector<16xi32>
    %broadcast_in_dim3A = arith.constant 5.000000e-03 : f32
    %broadcast_in_dim3A_7 = vector.broadcast %broadcast_in_dim3A : f32 to vector<16xf32>
    %mul3A_8 = arith.constant 200 : i32
    %mul3A_9 = vector.broadcast %mul3A_8 : i32 to vector<16xi32>
    %mul3A_10 = arith.muli %iota3A, %mul3A_9 : vector<16xi32>
    %add3A_11 = arith.constant 0 : i32
    %add3A_12 = vector.broadcast %add3A_11 : i32 to vector<16xi32>
    %add3A_13 = arith.addi %add3A_12, %mul3A_10 : vector<16xi32>
    %broadcast_in_dim3A_14 = arith.constant 0.000000e+00 : f32
    %broadcast_in_dim3A_15 = vector.broadcast %broadcast_in_dim3A_14 : f32 to vector<16xf32>
    %broadcast_in_dim3A_16 = arith.constant 0 : i32
    %broadcast_in_dim3A_17 = vector.broadcast %broadcast_in_dim3A_16 : i32 to vector<16xi32>
    %scan3A = arith.constant 0 : i32
    %scan3A_18 = arith.constant 200 : i32
    %scan3A_19 = arith.addi %scan3A, %scan3A_18 : i32
    %scan3A_20 = arith.constant 1 : i32
    %scan3A_21:2 = scf.for %scan3A_770 = %scan3A to %scan3A_19 step %scan3A_20 iter_args(%scan3A_771 = %broadcast_in_dim3A_15, %scan3A_772 = %broadcast_in_dim3A_17) -> (vector<16xf32>, vector<16xi32>)  : i32 {
      %add3A_773 = vector.broadcast %scan3A_770 : i32 to vector<16xi32>
      %add3A_774 = arith.addi %add3A_13, %add3A_773 : vector<16xi32>
      %gather3A = tpu.vector_load_idx %arg8[%add3A_774] : memref<25600xi32, #tpu.memory_space<vmem>>[vector<16xi32>], vector<16xi32>,
      %shift_right_arithmetic3A_775 = arith.constant 7 : i32
      %shift_right_arithmetic3A_776 = vector.broadcast %shift_right_arithmetic3A_775 : i32 to vector<16xi32>
      %shift_right_arithmetic3A_777 = arith.shrsi %gather3A, %shift_right_arithmetic3A_776 : vector<16xi32>
      %and3A_778 = arith.constant 127 : i32
      %and3A_779 = vector.broadcast %and3A_778 : i32 to vector<16xi32>
      %and3A_780 = arith.andi %gather3A, %and3A_779 : vector<16xi32>
      %gather3A_781 = tpu.vector_load_idx %arg6[%shift_right_arithmetic3A_777, %and3A_780] : memref<784x128xf32, #tpu.memory_space<vmem>>[vector<16xi32>, vector<16xi32>], vector<16xf32>,
      %add3A_782 = arith.addf %scan3A_771, %gather3A_781 : vector<16xf32>
      %min3A = arith.constant 63 : i32
      %min3A_783 = vector.broadcast %min3A : i32 to vector<16xi32>
      %min3A_784 = arith.minsi %gather3A, %min3A_783 : vector<16xi32>
      %gather3A_785 = tpu.vector_load_idx %arg7[%min3A_784] : memref<64xi32, #tpu.memory_space<vmem>>[vector<16xi32>], vector<16xi32>,
      %or3A = arith.ori %scan3A_772, %gather3A_785 : vector<16xi32>
      scf.yield %add3A_782, %or3A : vector<16xf32>, vector<16xi32>
    }
    %scan3A_22 = arith.constant 200 : i32
    %broadcast_in_dim3A_23 = arith.constant 0 : i32
    %broadcast_in_dim3A_24 = vector.broadcast %broadcast_in_dim3A_23 : i32 to vector<16xi32>
    %shift_right_arithmetic3A = arith.constant 0 : i32
    %shift_right_arithmetic3A_25 = vector.broadcast %shift_right_arithmetic3A : i32 to vector<16xi32>
    %shift_right_arithmetic3A_26 = arith.shrsi %scan3A_21#1, %shift_right_arithmetic3A_25 : vector<16xi32>
    %and3A = arith.constant 1 : i32
    %and3A_27 = vector.broadcast %and3A : i32 to vector<16xi32>
    %and3A_28 = arith.andi %shift_right_arithmetic3A_26, %and3A_27 : vector<16xi32>
    %add3A_29 = arith.addi %broadcast_in_dim3A_24, %and3A_28 : vector<16xi32>
    %shift_right_arithmetic3A_30 = arith.constant 1 : i32
    %shift_right_arithmetic3A_31 = vector.broadcast %shift_right_arithmetic3A_30 : i32 to vector<16xi32>
    %shift_right_arithmetic3A_32 = arith.shrsi %scan3A_21#1, %shift_right_arithmetic3A_31 : vector<16xi32>
    %and3A_33 = arith.constant 1 : i32
    %and3A_34 = vector.broadcast %and3A_33 : i32 to vector<16xi32>
    %and3A_35 = arith.andi %shift_right_arithmetic3A_32, %and3A_34 : vector<16xi32>
    %add3A_36 = arith.addi %add3A_29, %and3A_35 : vector<16xi32>
    %shift_right_arithmetic3A_37 = arith.constant 2 : i32
    %shift_right_arithmetic3A_38 = vector.broadcast %shift_right_arithmetic3A_37 : i32 to vector<16xi32>
    %shift_right_arithmetic3A_39 = arith.shrsi %scan3A_21#1, %shift_right_arithmetic3A_38 : vector<16xi32>
    %and3A_40 = arith.constant 1 : i32
    %and3A_41 = vector.broadcast %and3A_40 : i32 to vector<16xi32>
    %and3A_42 = arith.andi %shift_right_arithmetic3A_39, %and3A_41 : vector<16xi32>
    %add3A_43 = arith.addi %add3A_36, %and3A_42 : vector<16xi32>
    %shift_right_arithmetic3A_44 = arith.constant 3 : i32
    %shift_right_arithmetic3A_45 = vector.broadcast %shift_right_arithmetic3A_44 : i32 to vector<16xi32>
    %shift_right_arithmetic3A_46 = arith.shrsi %scan3A_21#1, %shift_right_arithmetic3A_45 : vector<16xi32>
    %and3A_47 = arith.constant 1 : i32
    %and3A_48 = vector.broadcast %and3A_47 : i32 to vector<16xi32>
    %and3A_49 = arith.andi %shift_right_arithmetic3A_46, %and3A_48 : vector<16xi32>
    %add3A_50 = arith.addi %add3A_43, %and3A_49 : vector<16xi32>
    %shift_right_arithmetic3A_51 = arith.constant 4 : i32
    %shift_right_arithmetic3A_52 = vector.broadcast %shift_right_arithmetic3A_51 : i32 to vector<16xi32>
    %shift_right_arithmetic3A_53 = arith.shrsi %scan3A_21#1, %shift_right_arithmetic3A_52 : vector<16xi32>
    %and3A_54 = arith.constant 1 : i32
    %and3A_55 = vector.broadcast %and3A_54 : i32 to vector<16xi32>
    %and3A_56 = arith.andi %shift_right_arithmetic3A_53, %and3A_55 : vector<16xi32>
    %add3A_57 = arith.addi %add3A_50, %and3A_56 : vector<16xi32>
    %shift_right_arithmetic3A_58 = arith.constant 5 : i32
    %shift_right_arithmetic3A_59 = vector.broadcast %shift_right_arithmetic3A_58 : i32 to vector<16xi32>
    %shift_right_arithmetic3A_60 = arith.shrsi %scan3A_21#1, %shift_right_arithmetic3A_59 : vector<16xi32>
    %and3A_61 = arith.constant 1 : i32
    %and3A_62 = vector.broadcast %and3A_61 : i32 to vector<16xi32>
    %and3A_63 = arith.andi %shift_right_arithmetic3A_60, %and3A_62 : vector<16xi32>
    %add3A_64 = arith.addi %add3A_57, %and3A_63 : vector<16xi32>
    %shift_right_arithmetic3A_65 = arith.constant 6 : i32
    %shift_right_arithmetic3A_66 = vector.broadcast %shift_right_arithmetic3A_65 : i32 to vector<16xi32>
    %shift_right_arithmetic3A_67 = arith.shrsi %scan3A_21#1, %shift_right_arithmetic3A_66 : vector<16xi32>
    %and3A_68 = arith.constant 1 : i32
    %and3A_69 = vector.broadcast %and3A_68 : i32 to vector<16xi32>
    %and3A_70 = arith.andi %shift_right_arithmetic3A_67, %and3A_69 : vector<16xi32>
    %sub3A = arith.subi %add3A_64, %and3A_70 : vector<16xi32>
    %shift_right_arithmetic3A_71 = arith.constant 7 : i32
    %shift_right_arithmetic3A_72 = vector.broadcast %shift_right_arithmetic3A_71 : i32 to vector<16xi32>
    %shift_right_arithmetic3A_73 = arith.shrsi %scan3A_21#1, %shift_right_arithmetic3A_72 : vector<16xi32>
    %and3A_74 = arith.constant 1 : i32
    %and3A_75 = vector.broadcast %and3A_74 : i32 to vector<16xi32>
    %and3A_76 = arith.andi %shift_right_arithmetic3A_73, %and3A_75 : vector<16xi32>
    %sub3A_77 = arith.subi %sub3A, %and3A_76 : vector<16xi32>
    %shift_right_arithmetic3A_78 = arith.constant 8 : i32
    %shift_right_arithmetic3A_79 = vector.broadcast %shift_right_arithmetic3A_78 : i32 to vector<16xi32>
    %shift_right_arithmetic3A_80 = arith.shrsi %scan3A_21#1, %shift_right_arithmetic3A_79 : vector<16xi32>
    %and3A_81 = arith.constant 1 : i32
    %and3A_82 = vector.broadcast %and3A_81 : i32 to vector<16xi32>
    %and3A_83 = arith.andi %shift_right_arithmetic3A_80, %and3A_82 : vector<16xi32>
    %sub3A_84 = arith.subi %sub3A_77, %and3A_83 : vector<16xi32>
    %shift_right_arithmetic3A_85 = arith.constant 9 : i32
    %shift_right_arithmetic3A_86 = vector.broadcast %shift_right_arithmetic3A_85 : i32 to vector<16xi32>
    %shift_right_arithmetic3A_87 = arith.shrsi %scan3A_21#1, %shift_right_arithmetic3A_86 : vector<16xi32>
    %and3A_88 = arith.constant 1 : i32
    %and3A_89 = vector.broadcast %and3A_88 : i32 to vector<16xi32>
    %and3A_90 = arith.andi %shift_right_arithmetic3A_87, %and3A_89 : vector<16xi32>
    %sub3A_91 = arith.subi %sub3A_84, %and3A_90 : vector<16xi32>
    %mul3A_92 = arith.mulf %scan3A_21#0, %broadcast_in_dim3A_7 : vector<16xf32>
    %convert_element_type3A = arith.sitofp %sub3A_91 : vector<16xi32> to vector<16xf32>
    %mul3A_93 = arith.constant 5.000000e-01 : f32
    %mul3A_94 = vector.broadcast %mul3A_93 : f32 to vector<16xf32>
    %mul3A_95 = arith.mulf %mul3A_94, %convert_element_type3A : vector<16xf32>
    %add3A_96 = arith.addf %mul3A_92, %mul3A_95 : vector<16xf32>
    %swap3A = arith.constant 0 : index
    %swap3A_97 = tpu.vector_load %arg9[%swap3A] {strides = array<i32>} : memref<128xf32, #tpu.memory_space<vmem>>, vector<16xf32>,
    tpu.vector_store %arg9[%swap3A], %add3A_96 {strides = array<i32>} : memref<128xf32, #tpu.memory_space<vmem>>, vector<16xf32>,
    %mul3A_98 = arith.constant 200 : i32
    %mul3A_99 = vector.broadcast %mul3A_98 : i32 to vector<16xi32>
    %mul3A_100 = arith.muli %iota3A, %mul3A_99 : vector<16xi32>
    %add3A_101 = arith.constant 3200 : i32
    %add3A_102 = vector.broadcast %add3A_101 : i32 to vector<16xi32>
    %add3A_103 = arith.addi %add3A_102, %mul3A_100 : vector<16xi32>
    %broadcast_in_dim3A_104 = arith.constant 0.000000e+00 : f32
    %broadcast_in_dim3A_105 = vector.broadcast %broadcast_in_dim3A_104 : f32 to vector<16xf32>
    %broadcast_in_dim3A_106 = arith.constant 0 : i32
    %broadcast_in_dim3A_107 = vector.broadcast %broadcast_in_dim3A_106 : i32 to vector<16xi32>
    %scan3A_108 = arith.constant 0 : i32
    %scan3A_109 = arith.constant 200 : i32
    %scan3A_110 = arith.addi %scan3A_108, %scan3A_109 : i32
    %scan3A_111 = arith.constant 1 : i32
    %scan3A_112:2 = scf.for %scan3A_770 = %scan3A_108 to %scan3A_110 step %scan3A_111 iter_args(%scan3A_771 = %broadcast_in_dim3A_105, %scan3A_772 = %broadcast_in_dim3A_107) -> (vector<16xf32>, vector<16xi32>)  : i32 {
      %add3A_773 = vector.broadcast %scan3A_770 : i32 to vector<16xi32>
      %add3A_774 = arith.addi %add3A_103, %add3A_773 : vector<16xi32>
      %gather3A = tpu.vector_load_idx %arg8[%add3A_774] : memref<25600xi32, #tpu.memory_space<vmem>>[vector<16xi32>], vector<16xi32>,
      %shift_right_arithmetic3A_775 = arith.constant 7 : i32
      %shift_right_arithmetic3A_776 = vector.broadcast %shift_right_arithmetic3A_775 : i32 to vector<16xi32>
      %shift_right_arithmetic3A_777 = arith.shrsi %gather3A, %shift_right_arithmetic3A_776 : vector<16xi32>
      %and3A_778 = arith.constant 127 : i32
      %and3A_779 = vector.broadcast %and3A_778 : i32 to vector<16xi32>
      %and3A_780 = arith.andi %gather3A, %and3A_779 : vector<16xi32>
      %gather3A_781 = tpu.vector_load_idx %arg6[%shift_right_arithmetic3A_777, %and3A_780] : memref<784x128xf32, #tpu.memory_space<vmem>>[vector<16xi32>, vector<16xi32>], vector<16xf32>,
      %add3A_782 = arith.addf %scan3A_771, %gather3A_781 : vector<16xf32>
      %min3A = arith.constant 63 : i32
      %min3A_783 = vector.broadcast %min3A : i32 to vector<16xi32>
      %min3A_784 = arith.minsi %gather3A, %min3A_783 : vector<16xi32>
      %gather3A_785 = tpu.vector_load_idx %arg7[%min3A_784] : memref<64xi32, #tpu.memory_space<vmem>>[vector<16xi32>], vector<16xi32>,
      %or3A = arith.ori %scan3A_772, %gather3A_785 : vector<16xi32>
      scf.yield %add3A_782, %or3A : vector<16xf32>, vector<16xi32>
    }
    %scan3A_113 = arith.constant 200 : i32
    %broadcast_in_dim3A_114 = arith.constant 0 : i32
    %broadcast_in_dim3A_115 = vector.broadcast %broadcast_in_dim3A_114 : i32 to vector<16xi32>
    %shift_right_arithmetic3A_116 = arith.constant 0 : i32
    %shift_right_arithmetic3A_117 = vector.broadcast %shift_right_arithmetic3A_116 : i32 to vector<16xi32>
    %shift_right_arithmetic3A_118 = arith.shrsi %scan3A_112#1, %shift_right_arithmetic3A_117 : vector<16xi32>
    %and3A_119 = arith.constant 1 : i32
    %and3A_120 = vector.broadcast %and3A_119 : i32 to vector<16xi32>
    %and3A_121 = arith.andi %shift_right_arithmetic3A_118, %and3A_120 : vector<16xi32>
    %add3A_122 = arith.addi %broadcast_in_dim3A_115, %and3A_121 : vector<16xi32>
    %shift_right_arithmetic3A_123 = arith.constant 1 : i32
    %shift_right_arithmetic3A_124 = vector.broadcast %shift_right_arithmetic3A_123 : i32 to vector<16xi32>
    %shift_right_arithmetic3A_125 = arith.shrsi %scan3A_112#1, %shift_right_arithmetic3A_124 : vector<16xi32>
    %and3A_126 = arith.constant 1 : i32
    %and3A_127 = vector.broadcast %and3A_126 : i32 to vector<16xi32>
    %and3A_128 = arith.andi %shift_right_arithmetic3A_125, %and3A_127 : vector<16xi32>
    %add3A_129 = arith.addi %add3A_122, %and3A_128 : vector<16xi32>
    %shift_right_arithmetic3A_130 = arith.constant 2 : i32
    %shift_right_arithmetic3A_131 = vector.broadcast %shift_right_arithmetic3A_130 : i32 to vector<16xi32>
    %shift_right_arithmetic3A_132 = arith.shrsi %scan3A_112#1, %shift_right_arithmetic3A_131 : vector<16xi32>
    %and3A_133 = arith.constant 1 : i32
    %and3A_134 = vector.broadcast %and3A_133 : i32 to vector<16xi32>
    %and3A_135 = arith.andi %shift_right_arithmetic3A_132, %and3A_134 : vector<16xi32>
    %add3A_136 = arith.addi %add3A_129, %and3A_135 : vector<16xi32>
    %shift_right_arithmetic3A_137 = arith.constant 3 : i32
    %shift_right_arithmetic3A_138 = vector.broadcast %shift_right_arithmetic3A_137 : i32 to vector<16xi32>
    %shift_right_arithmetic3A_139 = arith.shrsi %scan3A_112#1, %shift_right_arithmetic3A_138 : vector<16xi32>
    %and3A_140 = arith.constant 1 : i32
    %and3A_141 = vector.broadcast %and3A_140 : i32 to vector<16xi32>
    %and3A_142 = arith.andi %shift_right_arithmetic3A_139, %and3A_141 : vector<16xi32>
    %add3A_143 = arith.addi %add3A_136, %and3A_142 : vector<16xi32>
    %shift_right_arithmetic3A_144 = arith.constant 4 : i32
    %shift_right_arithmetic3A_145 = vector.broadcast %shift_right_arithmetic3A_144 : i32 to vector<16xi32>
    %shift_right_arithmetic3A_146 = arith.shrsi %scan3A_112#1, %shift_right_arithmetic3A_145 : vector<16xi32>
    %and3A_147 = arith.constant 1 : i32
    %and3A_148 = vector.broadcast %and3A_147 : i32 to vector<16xi32>
    %and3A_149 = arith.andi %shift_right_arithmetic3A_146, %and3A_148 : vector<16xi32>
    %add3A_150 = arith.addi %add3A_143, %and3A_149 : vector<16xi32>
    %shift_right_arithmetic3A_151 = arith.constant 5 : i32
    %shift_right_arithmetic3A_152 = vector.broadcast %shift_right_arithmetic3A_151 : i32 to vector<16xi32>
    %shift_right_arithmetic3A_153 = arith.shrsi %scan3A_112#1, %shift_right_arithmetic3A_152 : vector<16xi32>
    %and3A_154 = arith.constant 1 : i32
    %and3A_155 = vector.broadcast %and3A_154 : i32 to vector<16xi32>
    %and3A_156 = arith.andi %shift_right_arithmetic3A_153, %and3A_155 : vector<16xi32>
    %add3A_157 = arith.addi %add3A_150, %and3A_156 : vector<16xi32>
    %shift_right_arithmetic3A_158 = arith.constant 6 : i32
    %shift_right_arithmetic3A_159 = vector.broadcast %shift_right_arithmetic3A_158 : i32 to vector<16xi32>
    %shift_right_arithmetic3A_160 = arith.shrsi %scan3A_112#1, %shift_right_arithmetic3A_159 : vector<16xi32>
    %and3A_161 = arith.constant 1 : i32
    %and3A_162 = vector.broadcast %and3A_161 : i32 to vector<16xi32>
    %and3A_163 = arith.andi %shift_right_arithmetic3A_160, %and3A_162 : vector<16xi32>
    %sub3A_164 = arith.subi %add3A_157, %and3A_163 : vector<16xi32>
    %shift_right_arithmetic3A_165 = arith.constant 7 : i32
    %shift_right_arithmetic3A_166 = vector.broadcast %shift_right_arithmetic3A_165 : i32 to vector<16xi32>
    %shift_right_arithmetic3A_167 = arith.shrsi %scan3A_112#1, %shift_right_arithmetic3A_166 : vector<16xi32>
    %and3A_168 = arith.constant 1 : i32
    %and3A_169 = vector.broadcast %and3A_168 : i32 to vector<16xi32>
    %and3A_170 = arith.andi %shift_right_arithmetic3A_167, %and3A_169 : vector<16xi32>
    %sub3A_171 = arith.subi %sub3A_164, %and3A_170 : vector<16xi32>
    %shift_right_arithmetic3A_172 = arith.constant 8 : i32
    %shift_right_arithmetic3A_173 = vector.broadcast %shift_right_arithmetic3A_172 : i32 to vector<16xi32>
    %shift_right_arithmetic3A_174 = arith.shrsi %scan3A_112#1, %shift_right_arithmetic3A_173 : vector<16xi32>
    %and3A_175 = arith.constant 1 : i32
    %and3A_176 = vector.broadcast %and3A_175 : i32 to vector<16xi32>
    %and3A_177 = arith.andi %shift_right_arithmetic3A_174, %and3A_176 : vector<16xi32>
    %sub3A_178 = arith.subi %sub3A_171, %and3A_177 : vector<16xi32>
    %shift_right_arithmetic3A_179 = arith.constant 9 : i32
    %shift_right_arithmetic3A_180 = vector.broadcast %shift_right_arithmetic3A_179 : i32 to vector<16xi32>
    %shift_right_arithmetic3A_181 = arith.shrsi %scan3A_112#1, %shift_right_arithmetic3A_180 : vector<16xi32>
    %and3A_182 = arith.constant 1 : i32
    %and3A_183 = vector.broadcast %and3A_182 : i32 to vector<16xi32>
    %and3A_184 = arith.andi %shift_right_arithmetic3A_181, %and3A_183 : vector<16xi32>
    %sub3A_185 = arith.subi %sub3A_178, %and3A_184 : vector<16xi32>
    %mul3A_186 = arith.mulf %scan3A_112#0, %broadcast_in_dim3A_7 : vector<16xf32>
    %convert_element_type3A_187 = arith.sitofp %sub3A_185 : vector<16xi32> to vector<16xf32>
    %mul3A_188 = arith.constant 5.000000e-01 : f32
    %mul3A_189 = vector.broadcast %mul3A_188 : f32 to vector<16xf32>
    %mul3A_190 = arith.mulf %mul3A_189, %convert_element_type3A_187 : vector<16xf32>
    %add3A_191 = arith.addf %mul3A_186, %mul3A_190 : vector<16xf32>
    %swap3A_192 = arith.constant 16 : index
    %swap3A_193 = tpu.vector_load %arg9[%swap3A_192] {strides = array<i32>} : memref<128xf32, #tpu.memory_space<vmem>>, vector<16xf32>,
    tpu.vector_store %arg9[%swap3A_192], %add3A_191 {strides = array<i32>} : memref<128xf32, #tpu.memory_space<vmem>>, vector<16xf32>,
    %mul3A_194 = arith.constant 200 : i32
    %mul3A_195 = vector.broadcast %mul3A_194 : i32 to vector<16xi32>
    %mul3A_196 = arith.muli %iota3A, %mul3A_195 : vector<16xi32>
    %add3A_197 = arith.constant 6400 : i32
    %add3A_198 = vector.broadcast %add3A_197 : i32 to vector<16xi32>
    %add3A_199 = arith.addi %add3A_198, %mul3A_196 : vector<16xi32>
    %broadcast_in_dim3A_200 = arith.constant 0.000000e+00 : f32
    %broadcast_in_dim3A_201 = vector.broadcast %broadcast_in_dim3A_200 : f32 to vector<16xf32>
    %broadcast_in_dim3A_202 = arith.constant 0 : i32
    %broadcast_in_dim3A_203 = vector.broadcast %broadcast_in_dim3A_202 : i32 to vector<16xi32>
    %scan3A_204 = arith.constant 0 : i32
    %scan3A_205 = arith.constant 200 : i32
    %scan3A_206 = arith.addi %scan3A_204, %scan3A_205 : i32
    %scan3A_207 = arith.constant 1 : i32
    %scan3A_208:2 = scf.for %scan3A_770 = %scan3A_204 to %scan3A_206 step %scan3A_207 iter_args(%scan3A_771 = %broadcast_in_dim3A_201, %scan3A_772 = %broadcast_in_dim3A_203) -> (vector<16xf32>, vector<16xi32>)  : i32 {
      %add3A_773 = vector.broadcast %scan3A_770 : i32 to vector<16xi32>
      %add3A_774 = arith.addi %add3A_199, %add3A_773 : vector<16xi32>
      %gather3A = tpu.vector_load_idx %arg8[%add3A_774] : memref<25600xi32, #tpu.memory_space<vmem>>[vector<16xi32>], vector<16xi32>,
      %shift_right_arithmetic3A_775 = arith.constant 7 : i32
      %shift_right_arithmetic3A_776 = vector.broadcast %shift_right_arithmetic3A_775 : i32 to vector<16xi32>
      %shift_right_arithmetic3A_777 = arith.shrsi %gather3A, %shift_right_arithmetic3A_776 : vector<16xi32>
      %and3A_778 = arith.constant 127 : i32
      %and3A_779 = vector.broadcast %and3A_778 : i32 to vector<16xi32>
      %and3A_780 = arith.andi %gather3A, %and3A_779 : vector<16xi32>
      %gather3A_781 = tpu.vector_load_idx %arg6[%shift_right_arithmetic3A_777, %and3A_780] : memref<784x128xf32, #tpu.memory_space<vmem>>[vector<16xi32>, vector<16xi32>], vector<16xf32>,
      %add3A_782 = arith.addf %scan3A_771, %gather3A_781 : vector<16xf32>
      %min3A = arith.constant 63 : i32
      %min3A_783 = vector.broadcast %min3A : i32 to vector<16xi32>
      %min3A_784 = arith.minsi %gather3A, %min3A_783 : vector<16xi32>
      %gather3A_785 = tpu.vector_load_idx %arg7[%min3A_784] : memref<64xi32, #tpu.memory_space<vmem>>[vector<16xi32>], vector<16xi32>,
      %or3A = arith.ori %scan3A_772, %gather3A_785 : vector<16xi32>
      scf.yield %add3A_782, %or3A : vector<16xf32>, vector<16xi32>
    }
    %scan3A_209 = arith.constant 200 : i32
    %broadcast_in_dim3A_210 = arith.constant 0 : i32
    %broadcast_in_dim3A_211 = vector.broadcast %broadcast_in_dim3A_210 : i32 to vector<16xi32>
    %shift_right_arithmetic3A_212 = arith.constant 0 : i32
    %shift_right_arithmetic3A_213 = vector.broadcast %shift_right_arithmetic3A_212 : i32 to vector<16xi32>
    %shift_right_arithmetic3A_214 = arith.shrsi %scan3A_208#1, %shift_right_arithmetic3A_213 : vector<16xi32>
    %and3A_215 = arith.constant 1 : i32
    %and3A_216 = vector.broadcast %and3A_215 : i32 to vector<16xi32>
    %and3A_217 = arith.andi %shift_right_arithmetic3A_214, %and3A_216 : vector<16xi32>
    %add3A_218 = arith.addi %broadcast_in_dim3A_211, %and3A_217 : vector<16xi32>
    %shift_right_arithmetic3A_219 = arith.constant 1 : i32
    %shift_right_arithmetic3A_220 = vector.broadcast %shift_right_arithmetic3A_219 : i32 to vector<16xi32>
    %shift_right_arithmetic3A_221 = arith.shrsi %scan3A_208#1, %shift_right_arithmetic3A_220 : vector<16xi32>
    %and3A_222 = arith.constant 1 : i32
    %and3A_223 = vector.broadcast %and3A_222 : i32 to vector<16xi32>
    %and3A_224 = arith.andi %shift_right_arithmetic3A_221, %and3A_223 : vector<16xi32>
    %add3A_225 = arith.addi %add3A_218, %and3A_224 : vector<16xi32>
    %shift_right_arithmetic3A_226 = arith.constant 2 : i32
    %shift_right_arithmetic3A_227 = vector.broadcast %shift_right_arithmetic3A_226 : i32 to vector<16xi32>
    %shift_right_arithmetic3A_228 = arith.shrsi %scan3A_208#1, %shift_right_arithmetic3A_227 : vector<16xi32>
    %and3A_229 = arith.constant 1 : i32
    %and3A_230 = vector.broadcast %and3A_229 : i32 to vector<16xi32>
    %and3A_231 = arith.andi %shift_right_arithmetic3A_228, %and3A_230 : vector<16xi32>
    %add3A_232 = arith.addi %add3A_225, %and3A_231 : vector<16xi32>
    %shift_right_arithmetic3A_233 = arith.constant 3 : i32
    %shift_right_arithmetic3A_234 = vector.broadcast %shift_right_arithmetic3A_233 : i32 to vector<16xi32>
    %shift_right_arithmetic3A_235 = arith.shrsi %scan3A_208#1, %shift_right_arithmetic3A_234 : vector<16xi32>
    %and3A_236 = arith.constant 1 : i32
    %and3A_237 = vector.broadcast %and3A_236 : i32 to vector<16xi32>
    %and3A_238 = arith.andi %shift_right_arithmetic3A_235, %and3A_237 : vector<16xi32>
    %add3A_239 = arith.addi %add3A_232, %and3A_238 : vector<16xi32>
    %shift_right_arithmetic3A_240 = arith.constant 4 : i32
    %shift_right_arithmetic3A_241 = vector.broadcast %shift_right_arithmetic3A_240 : i32 to vector<16xi32>
    %shift_right_arithmetic3A_242 = arith.shrsi %scan3A_208#1, %shift_right_arithmetic3A_241 : vector<16xi32>
    %and3A_243 = arith.constant 1 : i32
    %and3A_244 = vector.broadcast %and3A_243 : i32 to vector<16xi32>
    %and3A_245 = arith.andi %shift_right_arithmetic3A_242, %and3A_244 : vector<16xi32>
    %add3A_246 = arith.addi %add3A_239, %and3A_245 : vector<16xi32>
    %shift_right_arithmetic3A_247 = arith.constant 5 : i32
    %shift_right_arithmetic3A_248 = vector.broadcast %shift_right_arithmetic3A_247 : i32 to vector<16xi32>
    %shift_right_arithmetic3A_249 = arith.shrsi %scan3A_208#1, %shift_right_arithmetic3A_248 : vector<16xi32>
    %and3A_250 = arith.constant 1 : i32
    %and3A_251 = vector.broadcast %and3A_250 : i32 to vector<16xi32>
    %and3A_252 = arith.andi %shift_right_arithmetic3A_249, %and3A_251 : vector<16xi32>
    %add3A_253 = arith.addi %add3A_246, %and3A_252 : vector<16xi32>
    %shift_right_arithmetic3A_254 = arith.constant 6 : i32
    %shift_right_arithmetic3A_255 = vector.broadcast %shift_right_arithmetic3A_254 : i32 to vector<16xi32>
    %shift_right_arithmetic3A_256 = arith.shrsi %scan3A_208#1, %shift_right_arithmetic3A_255 : vector<16xi32>
    %and3A_257 = arith.constant 1 : i32
    %and3A_258 = vector.broadcast %and3A_257 : i32 to vector<16xi32>
    %and3A_259 = arith.andi %shift_right_arithmetic3A_256, %and3A_258 : vector<16xi32>
    %sub3A_260 = arith.subi %add3A_253, %and3A_259 : vector<16xi32>
    %shift_right_arithmetic3A_261 = arith.constant 7 : i32
    %shift_right_arithmetic3A_262 = vector.broadcast %shift_right_arithmetic3A_261 : i32 to vector<16xi32>
    %shift_right_arithmetic3A_263 = arith.shrsi %scan3A_208#1, %shift_right_arithmetic3A_262 : vector<16xi32>
    %and3A_264 = arith.constant 1 : i32
    %and3A_265 = vector.broadcast %and3A_264 : i32 to vector<16xi32>
    %and3A_266 = arith.andi %shift_right_arithmetic3A_263, %and3A_265 : vector<16xi32>
    %sub3A_267 = arith.subi %sub3A_260, %and3A_266 : vector<16xi32>
    %shift_right_arithmetic3A_268 = arith.constant 8 : i32
    %shift_right_arithmetic3A_269 = vector.broadcast %shift_right_arithmetic3A_268 : i32 to vector<16xi32>
    %shift_right_arithmetic3A_270 = arith.shrsi %scan3A_208#1, %shift_right_arithmetic3A_269 : vector<16xi32>
    %and3A_271 = arith.constant 1 : i32
    %and3A_272 = vector.broadcast %and3A_271 : i32 to vector<16xi32>
    %and3A_273 = arith.andi %shift_right_arithmetic3A_270, %and3A_272 : vector<16xi32>
    %sub3A_274 = arith.subi %sub3A_267, %and3A_273 : vector<16xi32>
    %shift_right_arithmetic3A_275 = arith.constant 9 : i32
    %shift_right_arithmetic3A_276 = vector.broadcast %shift_right_arithmetic3A_275 : i32 to vector<16xi32>
    %shift_right_arithmetic3A_277 = arith.shrsi %scan3A_208#1, %shift_right_arithmetic3A_276 : vector<16xi32>
    %and3A_278 = arith.constant 1 : i32
    %and3A_279 = vector.broadcast %and3A_278 : i32 to vector<16xi32>
    %and3A_280 = arith.andi %shift_right_arithmetic3A_277, %and3A_279 : vector<16xi32>
    %sub3A_281 = arith.subi %sub3A_274, %and3A_280 : vector<16xi32>
    %mul3A_282 = arith.mulf %scan3A_208#0, %broadcast_in_dim3A_7 : vector<16xf32>
    %convert_element_type3A_283 = arith.sitofp %sub3A_281 : vector<16xi32> to vector<16xf32>
    %mul3A_284 = arith.constant 5.000000e-01 : f32
    %mul3A_285 = vector.broadcast %mul3A_284 : f32 to vector<16xf32>
    %mul3A_286 = arith.mulf %mul3A_285, %convert_element_type3A_283 : vector<16xf32>
    %add3A_287 = arith.addf %mul3A_282, %mul3A_286 : vector<16xf32>
    %swap3A_288 = arith.constant 32 : index
    %swap3A_289 = tpu.vector_load %arg9[%swap3A_288] {strides = array<i32>} : memref<128xf32, #tpu.memory_space<vmem>>, vector<16xf32>,
    tpu.vector_store %arg9[%swap3A_288], %add3A_287 {strides = array<i32>} : memref<128xf32, #tpu.memory_space<vmem>>, vector<16xf32>,
    %mul3A_290 = arith.constant 200 : i32
    %mul3A_291 = vector.broadcast %mul3A_290 : i32 to vector<16xi32>
    %mul3A_292 = arith.muli %iota3A, %mul3A_291 : vector<16xi32>
    %add3A_293 = arith.constant 9600 : i32
    %add3A_294 = vector.broadcast %add3A_293 : i32 to vector<16xi32>
    %add3A_295 = arith.addi %add3A_294, %mul3A_292 : vector<16xi32>
    %broadcast_in_dim3A_296 = arith.constant 0.000000e+00 : f32
    %broadcast_in_dim3A_297 = vector.broadcast %broadcast_in_dim3A_296 : f32 to vector<16xf32>
    %broadcast_in_dim3A_298 = arith.constant 0 : i32
    %broadcast_in_dim3A_299 = vector.broadcast %broadcast_in_dim3A_298 : i32 to vector<16xi32>
    %scan3A_300 = arith.constant 0 : i32
    %scan3A_301 = arith.constant 200 : i32
    %scan3A_302 = arith.addi %scan3A_300, %scan3A_301 : i32
    %scan3A_303 = arith.constant 1 : i32
    %scan3A_304:2 = scf.for %scan3A_770 = %scan3A_300 to %scan3A_302 step %scan3A_303 iter_args(%scan3A_771 = %broadcast_in_dim3A_297, %scan3A_772 = %broadcast_in_dim3A_299) -> (vector<16xf32>, vector<16xi32>)  : i32 {
      %add3A_773 = vector.broadcast %scan3A_770 : i32 to vector<16xi32>
      %add3A_774 = arith.addi %add3A_295, %add3A_773 : vector<16xi32>
      %gather3A = tpu.vector_load_idx %arg8[%add3A_774] : memref<25600xi32, #tpu.memory_space<vmem>>[vector<16xi32>], vector<16xi32>,
      %shift_right_arithmetic3A_775 = arith.constant 7 : i32
      %shift_right_arithmetic3A_776 = vector.broadcast %shift_right_arithmetic3A_775 : i32 to vector<16xi32>
      %shift_right_arithmetic3A_777 = arith.shrsi %gather3A, %shift_right_arithmetic3A_776 : vector<16xi32>
      %and3A_778 = arith.constant 127 : i32
      %and3A_779 = vector.broadcast %and3A_778 : i32 to vector<16xi32>
      %and3A_780 = arith.andi %gather3A, %and3A_779 : vector<16xi32>
      %gather3A_781 = tpu.vector_load_idx %arg6[%shift_right_arithmetic3A_777, %and3A_780] : memref<784x128xf32, #tpu.memory_space<vmem>>[vector<16xi32>, vector<16xi32>], vector<16xf32>,
      %add3A_782 = arith.addf %scan3A_771, %gather3A_781 : vector<16xf32>
      %min3A = arith.constant 63 : i32
      %min3A_783 = vector.broadcast %min3A : i32 to vector<16xi32>
      %min3A_784 = arith.minsi %gather3A, %min3A_783 : vector<16xi32>
      %gather3A_785 = tpu.vector_load_idx %arg7[%min3A_784] : memref<64xi32, #tpu.memory_space<vmem>>[vector<16xi32>], vector<16xi32>,
      %or3A = arith.ori %scan3A_772, %gather3A_785 : vector<16xi32>
      scf.yield %add3A_782, %or3A : vector<16xf32>, vector<16xi32>
    }
    %scan3A_305 = arith.constant 200 : i32
    %broadcast_in_dim3A_306 = arith.constant 0 : i32
    %broadcast_in_dim3A_307 = vector.broadcast %broadcast_in_dim3A_306 : i32 to vector<16xi32>
    %shift_right_arithmetic3A_308 = arith.constant 0 : i32
    %shift_right_arithmetic3A_309 = vector.broadcast %shift_right_arithmetic3A_308 : i32 to vector<16xi32>
    %shift_right_arithmetic3A_310 = arith.shrsi %scan3A_304#1, %shift_right_arithmetic3A_309 : vector<16xi32>
    %and3A_311 = arith.constant 1 : i32
    %and3A_312 = vector.broadcast %and3A_311 : i32 to vector<16xi32>
    %and3A_313 = arith.andi %shift_right_arithmetic3A_310, %and3A_312 : vector<16xi32>
    %add3A_314 = arith.addi %broadcast_in_dim3A_307, %and3A_313 : vector<16xi32>
    %shift_right_arithmetic3A_315 = arith.constant 1 : i32
    %shift_right_arithmetic3A_316 = vector.broadcast %shift_right_arithmetic3A_315 : i32 to vector<16xi32>
    %shift_right_arithmetic3A_317 = arith.shrsi %scan3A_304#1, %shift_right_arithmetic3A_316 : vector<16xi32>
    %and3A_318 = arith.constant 1 : i32
    %and3A_319 = vector.broadcast %and3A_318 : i32 to vector<16xi32>
    %and3A_320 = arith.andi %shift_right_arithmetic3A_317, %and3A_319 : vector<16xi32>
    %add3A_321 = arith.addi %add3A_314, %and3A_320 : vector<16xi32>
    %shift_right_arithmetic3A_322 = arith.constant 2 : i32
    %shift_right_arithmetic3A_323 = vector.broadcast %shift_right_arithmetic3A_322 : i32 to vector<16xi32>
    %shift_right_arithmetic3A_324 = arith.shrsi %scan3A_304#1, %shift_right_arithmetic3A_323 : vector<16xi32>
    %and3A_325 = arith.constant 1 : i32
    %and3A_326 = vector.broadcast %and3A_325 : i32 to vector<16xi32>
    %and3A_327 = arith.andi %shift_right_arithmetic3A_324, %and3A_326 : vector<16xi32>
    %add3A_328 = arith.addi %add3A_321, %and3A_327 : vector<16xi32>
    %shift_right_arithmetic3A_329 = arith.constant 3 : i32
    %shift_right_arithmetic3A_330 = vector.broadcast %shift_right_arithmetic3A_329 : i32 to vector<16xi32>
    %shift_right_arithmetic3A_331 = arith.shrsi %scan3A_304#1, %shift_right_arithmetic3A_330 : vector<16xi32>
    %and3A_332 = arith.constant 1 : i32
    %and3A_333 = vector.broadcast %and3A_332 : i32 to vector<16xi32>
    %and3A_334 = arith.andi %shift_right_arithmetic3A_331, %and3A_333 : vector<16xi32>
    %add3A_335 = arith.addi %add3A_328, %and3A_334 : vector<16xi32>
    %shift_right_arithmetic3A_336 = arith.constant 4 : i32
    %shift_right_arithmetic3A_337 = vector.broadcast %shift_right_arithmetic3A_336 : i32 to vector<16xi32>
    %shift_right_arithmetic3A_338 = arith.shrsi %scan3A_304#1, %shift_right_arithmetic3A_337 : vector<16xi32>
    %and3A_339 = arith.constant 1 : i32
    %and3A_340 = vector.broadcast %and3A_339 : i32 to vector<16xi32>
    %and3A_341 = arith.andi %shift_right_arithmetic3A_338, %and3A_340 : vector<16xi32>
    %add3A_342 = arith.addi %add3A_335, %and3A_341 : vector<16xi32>
    %shift_right_arithmetic3A_343 = arith.constant 5 : i32
    %shift_right_arithmetic3A_344 = vector.broadcast %shift_right_arithmetic3A_343 : i32 to vector<16xi32>
    %shift_right_arithmetic3A_345 = arith.shrsi %scan3A_304#1, %shift_right_arithmetic3A_344 : vector<16xi32>
    %and3A_346 = arith.constant 1 : i32
    %and3A_347 = vector.broadcast %and3A_346 : i32 to vector<16xi32>
    %and3A_348 = arith.andi %shift_right_arithmetic3A_345, %and3A_347 : vector<16xi32>
    %add3A_349 = arith.addi %add3A_342, %and3A_348 : vector<16xi32>
    %shift_right_arithmetic3A_350 = arith.constant 6 : i32
    %shift_right_arithmetic3A_351 = vector.broadcast %shift_right_arithmetic3A_350 : i32 to vector<16xi32>
    %shift_right_arithmetic3A_352 = arith.shrsi %scan3A_304#1, %shift_right_arithmetic3A_351 : vector<16xi32>
    %and3A_353 = arith.constant 1 : i32
    %and3A_354 = vector.broadcast %and3A_353 : i32 to vector<16xi32>
    %and3A_355 = arith.andi %shift_right_arithmetic3A_352, %and3A_354 : vector<16xi32>
    %sub3A_356 = arith.subi %add3A_349, %and3A_355 : vector<16xi32>
    %shift_right_arithmetic3A_357 = arith.constant 7 : i32
    %shift_right_arithmetic3A_358 = vector.broadcast %shift_right_arithmetic3A_357 : i32 to vector<16xi32>
    %shift_right_arithmetic3A_359 = arith.shrsi %scan3A_304#1, %shift_right_arithmetic3A_358 : vector<16xi32>
    %and3A_360 = arith.constant 1 : i32
    %and3A_361 = vector.broadcast %and3A_360 : i32 to vector<16xi32>
    %and3A_362 = arith.andi %shift_right_arithmetic3A_359, %and3A_361 : vector<16xi32>
    %sub3A_363 = arith.subi %sub3A_356, %and3A_362 : vector<16xi32>
    %shift_right_arithmetic3A_364 = arith.constant 8 : i32
    %shift_right_arithmetic3A_365 = vector.broadcast %shift_right_arithmetic3A_364 : i32 to vector<16xi32>
    %shift_right_arithmetic3A_366 = arith.shrsi %scan3A_304#1, %shift_right_arithmetic3A_365 : vector<16xi32>
    %and3A_367 = arith.constant 1 : i32
    %and3A_368 = vector.broadcast %and3A_367 : i32 to vector<16xi32>
    %and3A_369 = arith.andi %shift_right_arithmetic3A_366, %and3A_368 : vector<16xi32>
    %sub3A_370 = arith.subi %sub3A_363, %and3A_369 : vector<16xi32>
    %shift_right_arithmetic3A_371 = arith.constant 9 : i32
    %shift_right_arithmetic3A_372 = vector.broadcast %shift_right_arithmetic3A_371 : i32 to vector<16xi32>
    %shift_right_arithmetic3A_373 = arith.shrsi %scan3A_304#1, %shift_right_arithmetic3A_372 : vector<16xi32>
    %and3A_374 = arith.constant 1 : i32
    %and3A_375 = vector.broadcast %and3A_374 : i32 to vector<16xi32>
    %and3A_376 = arith.andi %shift_right_arithmetic3A_373, %and3A_375 : vector<16xi32>
    %sub3A_377 = arith.subi %sub3A_370, %and3A_376 : vector<16xi32>
    %mul3A_378 = arith.mulf %scan3A_304#0, %broadcast_in_dim3A_7 : vector<16xf32>
    %convert_element_type3A_379 = arith.sitofp %sub3A_377 : vector<16xi32> to vector<16xf32>
    %mul3A_380 = arith.constant 5.000000e-01 : f32
    %mul3A_381 = vector.broadcast %mul3A_380 : f32 to vector<16xf32>
    %mul3A_382 = arith.mulf %mul3A_381, %convert_element_type3A_379 : vector<16xf32>
    %add3A_383 = arith.addf %mul3A_378, %mul3A_382 : vector<16xf32>
    %swap3A_384 = arith.constant 48 : index
    %swap3A_385 = tpu.vector_load %arg9[%swap3A_384] {strides = array<i32>} : memref<128xf32, #tpu.memory_space<vmem>>, vector<16xf32>,
    tpu.vector_store %arg9[%swap3A_384], %add3A_383 {strides = array<i32>} : memref<128xf32, #tpu.memory_space<vmem>>, vector<16xf32>,
    %mul3A_386 = arith.constant 200 : i32
    %mul3A_387 = vector.broadcast %mul3A_386 : i32 to vector<16xi32>
    %mul3A_388 = arith.muli %iota3A, %mul3A_387 : vector<16xi32>
    %add3A_389 = arith.constant 12800 : i32
    %add3A_390 = vector.broadcast %add3A_389 : i32 to vector<16xi32>
    %add3A_391 = arith.addi %add3A_390, %mul3A_388 : vector<16xi32>
    %broadcast_in_dim3A_392 = arith.constant 0.000000e+00 : f32
    %broadcast_in_dim3A_393 = vector.broadcast %broadcast_in_dim3A_392 : f32 to vector<16xf32>
    %broadcast_in_dim3A_394 = arith.constant 0 : i32
    %broadcast_in_dim3A_395 = vector.broadcast %broadcast_in_dim3A_394 : i32 to vector<16xi32>
    %scan3A_396 = arith.constant 0 : i32
    %scan3A_397 = arith.constant 200 : i32
    %scan3A_398 = arith.addi %scan3A_396, %scan3A_397 : i32
    %scan3A_399 = arith.constant 1 : i32
    %scan3A_400:2 = scf.for %scan3A_770 = %scan3A_396 to %scan3A_398 step %scan3A_399 iter_args(%scan3A_771 = %broadcast_in_dim3A_393, %scan3A_772 = %broadcast_in_dim3A_395) -> (vector<16xf32>, vector<16xi32>)  : i32 {
      %add3A_773 = vector.broadcast %scan3A_770 : i32 to vector<16xi32>
      %add3A_774 = arith.addi %add3A_391, %add3A_773 : vector<16xi32>
      %gather3A = tpu.vector_load_idx %arg8[%add3A_774] : memref<25600xi32, #tpu.memory_space<vmem>>[vector<16xi32>], vector<16xi32>,
      %shift_right_arithmetic3A_775 = arith.constant 7 : i32
      %shift_right_arithmetic3A_776 = vector.broadcast %shift_right_arithmetic3A_775 : i32 to vector<16xi32>
      %shift_right_arithmetic3A_777 = arith.shrsi %gather3A, %shift_right_arithmetic3A_776 : vector<16xi32>
      %and3A_778 = arith.constant 127 : i32
      %and3A_779 = vector.broadcast %and3A_778 : i32 to vector<16xi32>
      %and3A_780 = arith.andi %gather3A, %and3A_779 : vector<16xi32>
      %gather3A_781 = tpu.vector_load_idx %arg6[%shift_right_arithmetic3A_777, %and3A_780] : memref<784x128xf32, #tpu.memory_space<vmem>>[vector<16xi32>, vector<16xi32>], vector<16xf32>,
      %add3A_782 = arith.addf %scan3A_771, %gather3A_781 : vector<16xf32>
      %min3A = arith.constant 63 : i32
      %min3A_783 = vector.broadcast %min3A : i32 to vector<16xi32>
      %min3A_784 = arith.minsi %gather3A, %min3A_783 : vector<16xi32>
      %gather3A_785 = tpu.vector_load_idx %arg7[%min3A_784] : memref<64xi32, #tpu.memory_space<vmem>>[vector<16xi32>], vector<16xi32>,
      %or3A = arith.ori %scan3A_772, %gather3A_785 : vector<16xi32>
      scf.yield %add3A_782, %or3A : vector<16xf32>, vector<16xi32>
    }
    %scan3A_401 = arith.constant 200 : i32
    %broadcast_in_dim3A_402 = arith.constant 0 : i32
    %broadcast_in_dim3A_403 = vector.broadcast %broadcast_in_dim3A_402 : i32 to vector<16xi32>
    %shift_right_arithmetic3A_404 = arith.constant 0 : i32
    %shift_right_arithmetic3A_405 = vector.broadcast %shift_right_arithmetic3A_404 : i32 to vector<16xi32>
    %shift_right_arithmetic3A_406 = arith.shrsi %scan3A_400#1, %shift_right_arithmetic3A_405 : vector<16xi32>
    %and3A_407 = arith.constant 1 : i32
    %and3A_408 = vector.broadcast %and3A_407 : i32 to vector<16xi32>
    %and3A_409 = arith.andi %shift_right_arithmetic3A_406, %and3A_408 : vector<16xi32>
    %add3A_410 = arith.addi %broadcast_in_dim3A_403, %and3A_409 : vector<16xi32>
    %shift_right_arithmetic3A_411 = arith.constant 1 : i32
    %shift_right_arithmetic3A_412 = vector.broadcast %shift_right_arithmetic3A_411 : i32 to vector<16xi32>
    %shift_right_arithmetic3A_413 = arith.shrsi %scan3A_400#1, %shift_right_arithmetic3A_412 : vector<16xi32>
    %and3A_414 = arith.constant 1 : i32
    %and3A_415 = vector.broadcast %and3A_414 : i32 to vector<16xi32>
    %and3A_416 = arith.andi %shift_right_arithmetic3A_413, %and3A_415 : vector<16xi32>
    %add3A_417 = arith.addi %add3A_410, %and3A_416 : vector<16xi32>
    %shift_right_arithmetic3A_418 = arith.constant 2 : i32
    %shift_right_arithmetic3A_419 = vector.broadcast %shift_right_arithmetic3A_418 : i32 to vector<16xi32>
    %shift_right_arithmetic3A_420 = arith.shrsi %scan3A_400#1, %shift_right_arithmetic3A_419 : vector<16xi32>
    %and3A_421 = arith.constant 1 : i32
    %and3A_422 = vector.broadcast %and3A_421 : i32 to vector<16xi32>
    %and3A_423 = arith.andi %shift_right_arithmetic3A_420, %and3A_422 : vector<16xi32>
    %add3A_424 = arith.addi %add3A_417, %and3A_423 : vector<16xi32>
    %shift_right_arithmetic3A_425 = arith.constant 3 : i32
    %shift_right_arithmetic3A_426 = vector.broadcast %shift_right_arithmetic3A_425 : i32 to vector<16xi32>
    %shift_right_arithmetic3A_427 = arith.shrsi %scan3A_400#1, %shift_right_arithmetic3A_426 : vector<16xi32>
    %and3A_428 = arith.constant 1 : i32
    %and3A_429 = vector.broadcast %and3A_428 : i32 to vector<16xi32>
    %and3A_430 = arith.andi %shift_right_arithmetic3A_427, %and3A_429 : vector<16xi32>
    %add3A_431 = arith.addi %add3A_424, %and3A_430 : vector<16xi32>
    %shift_right_arithmetic3A_432 = arith.constant 4 : i32
    %shift_right_arithmetic3A_433 = vector.broadcast %shift_right_arithmetic3A_432 : i32 to vector<16xi32>
    %shift_right_arithmetic3A_434 = arith.shrsi %scan3A_400#1, %shift_right_arithmetic3A_433 : vector<16xi32>
    %and3A_435 = arith.constant 1 : i32
    %and3A_436 = vector.broadcast %and3A_435 : i32 to vector<16xi32>
    %and3A_437 = arith.andi %shift_right_arithmetic3A_434, %and3A_436 : vector<16xi32>
    %add3A_438 = arith.addi %add3A_431, %and3A_437 : vector<16xi32>
    %shift_right_arithmetic3A_439 = arith.constant 5 : i32
    %shift_right_arithmetic3A_440 = vector.broadcast %shift_right_arithmetic3A_439 : i32 to vector<16xi32>
    %shift_right_arithmetic3A_441 = arith.shrsi %scan3A_400#1, %shift_right_arithmetic3A_440 : vector<16xi32>
    %and3A_442 = arith.constant 1 : i32
    %and3A_443 = vector.broadcast %and3A_442 : i32 to vector<16xi32>
    %and3A_444 = arith.andi %shift_right_arithmetic3A_441, %and3A_443 : vector<16xi32>
    %add3A_445 = arith.addi %add3A_438, %and3A_444 : vector<16xi32>
    %shift_right_arithmetic3A_446 = arith.constant 6 : i32
    %shift_right_arithmetic3A_447 = vector.broadcast %shift_right_arithmetic3A_446 : i32 to vector<16xi32>
    %shift_right_arithmetic3A_448 = arith.shrsi %scan3A_400#1, %shift_right_arithmetic3A_447 : vector<16xi32>
    %and3A_449 = arith.constant 1 : i32
    %and3A_450 = vector.broadcast %and3A_449 : i32 to vector<16xi32>
    %and3A_451 = arith.andi %shift_right_arithmetic3A_448, %and3A_450 : vector<16xi32>
    %sub3A_452 = arith.subi %add3A_445, %and3A_451 : vector<16xi32>
    %shift_right_arithmetic3A_453 = arith.constant 7 : i32
    %shift_right_arithmetic3A_454 = vector.broadcast %shift_right_arithmetic3A_453 : i32 to vector<16xi32>
    %shift_right_arithmetic3A_455 = arith.shrsi %scan3A_400#1, %shift_right_arithmetic3A_454 : vector<16xi32>
    %and3A_456 = arith.constant 1 : i32
    %and3A_457 = vector.broadcast %and3A_456 : i32 to vector<16xi32>
    %and3A_458 = arith.andi %shift_right_arithmetic3A_455, %and3A_457 : vector<16xi32>
    %sub3A_459 = arith.subi %sub3A_452, %and3A_458 : vector<16xi32>
    %shift_right_arithmetic3A_460 = arith.constant 8 : i32
    %shift_right_arithmetic3A_461 = vector.broadcast %shift_right_arithmetic3A_460 : i32 to vector<16xi32>
    %shift_right_arithmetic3A_462 = arith.shrsi %scan3A_400#1, %shift_right_arithmetic3A_461 : vector<16xi32>
    %and3A_463 = arith.constant 1 : i32
    %and3A_464 = vector.broadcast %and3A_463 : i32 to vector<16xi32>
    %and3A_465 = arith.andi %shift_right_arithmetic3A_462, %and3A_464 : vector<16xi32>
    %sub3A_466 = arith.subi %sub3A_459, %and3A_465 : vector<16xi32>
    %shift_right_arithmetic3A_467 = arith.constant 9 : i32
    %shift_right_arithmetic3A_468 = vector.broadcast %shift_right_arithmetic3A_467 : i32 to vector<16xi32>
    %shift_right_arithmetic3A_469 = arith.shrsi %scan3A_400#1, %shift_right_arithmetic3A_468 : vector<16xi32>
    %and3A_470 = arith.constant 1 : i32
    %and3A_471 = vector.broadcast %and3A_470 : i32 to vector<16xi32>
    %and3A_472 = arith.andi %shift_right_arithmetic3A_469, %and3A_471 : vector<16xi32>
    %sub3A_473 = arith.subi %sub3A_466, %and3A_472 : vector<16xi32>
    %mul3A_474 = arith.mulf %scan3A_400#0, %broadcast_in_dim3A_7 : vector<16xf32>
    %convert_element_type3A_475 = arith.sitofp %sub3A_473 : vector<16xi32> to vector<16xf32>
    %mul3A_476 = arith.constant 5.000000e-01 : f32
    %mul3A_477 = vector.broadcast %mul3A_476 : f32 to vector<16xf32>
    %mul3A_478 = arith.mulf %mul3A_477, %convert_element_type3A_475 : vector<16xf32>
    %add3A_479 = arith.addf %mul3A_474, %mul3A_478 : vector<16xf32>
    %swap3A_480 = arith.constant 64 : index
    %swap3A_481 = tpu.vector_load %arg9[%swap3A_480] {strides = array<i32>} : memref<128xf32, #tpu.memory_space<vmem>>, vector<16xf32>,
    tpu.vector_store %arg9[%swap3A_480], %add3A_479 {strides = array<i32>} : memref<128xf32, #tpu.memory_space<vmem>>, vector<16xf32>,
    %mul3A_482 = arith.constant 200 : i32
    %mul3A_483 = vector.broadcast %mul3A_482 : i32 to vector<16xi32>
    %mul3A_484 = arith.muli %iota3A, %mul3A_483 : vector<16xi32>
    %add3A_485 = arith.constant 16000 : i32
    %add3A_486 = vector.broadcast %add3A_485 : i32 to vector<16xi32>
    %add3A_487 = arith.addi %add3A_486, %mul3A_484 : vector<16xi32>
    %broadcast_in_dim3A_488 = arith.constant 0.000000e+00 : f32
    %broadcast_in_dim3A_489 = vector.broadcast %broadcast_in_dim3A_488 : f32 to vector<16xf32>
    %broadcast_in_dim3A_490 = arith.constant 0 : i32
    %broadcast_in_dim3A_491 = vector.broadcast %broadcast_in_dim3A_490 : i32 to vector<16xi32>
    %scan3A_492 = arith.constant 0 : i32
    %scan3A_493 = arith.constant 200 : i32
    %scan3A_494 = arith.addi %scan3A_492, %scan3A_493 : i32
    %scan3A_495 = arith.constant 1 : i32
    %scan3A_496:2 = scf.for %scan3A_770 = %scan3A_492 to %scan3A_494 step %scan3A_495 iter_args(%scan3A_771 = %broadcast_in_dim3A_489, %scan3A_772 = %broadcast_in_dim3A_491) -> (vector<16xf32>, vector<16xi32>)  : i32 {
      %add3A_773 = vector.broadcast %scan3A_770 : i32 to vector<16xi32>
      %add3A_774 = arith.addi %add3A_487, %add3A_773 : vector<16xi32>
      %gather3A = tpu.vector_load_idx %arg8[%add3A_774] : memref<25600xi32, #tpu.memory_space<vmem>>[vector<16xi32>], vector<16xi32>,
      %shift_right_arithmetic3A_775 = arith.constant 7 : i32
      %shift_right_arithmetic3A_776 = vector.broadcast %shift_right_arithmetic3A_775 : i32 to vector<16xi32>
      %shift_right_arithmetic3A_777 = arith.shrsi %gather3A, %shift_right_arithmetic3A_776 : vector<16xi32>
      %and3A_778 = arith.constant 127 : i32
      %and3A_779 = vector.broadcast %and3A_778 : i32 to vector<16xi32>
      %and3A_780 = arith.andi %gather3A, %and3A_779 : vector<16xi32>
      %gather3A_781 = tpu.vector_load_idx %arg6[%shift_right_arithmetic3A_777, %and3A_780] : memref<784x128xf32, #tpu.memory_space<vmem>>[vector<16xi32>, vector<16xi32>], vector<16xf32>,
      %add3A_782 = arith.addf %scan3A_771, %gather3A_781 : vector<16xf32>
      %min3A = arith.constant 63 : i32
      %min3A_783 = vector.broadcast %min3A : i32 to vector<16xi32>
      %min3A_784 = arith.minsi %gather3A, %min3A_783 : vector<16xi32>
      %gather3A_785 = tpu.vector_load_idx %arg7[%min3A_784] : memref<64xi32, #tpu.memory_space<vmem>>[vector<16xi32>], vector<16xi32>,
      %or3A = arith.ori %scan3A_772, %gather3A_785 : vector<16xi32>
      scf.yield %add3A_782, %or3A : vector<16xf32>, vector<16xi32>
    }
    %scan3A_497 = arith.constant 200 : i32
    %broadcast_in_dim3A_498 = arith.constant 0 : i32
    %broadcast_in_dim3A_499 = vector.broadcast %broadcast_in_dim3A_498 : i32 to vector<16xi32>
    %shift_right_arithmetic3A_500 = arith.constant 0 : i32
    %shift_right_arithmetic3A_501 = vector.broadcast %shift_right_arithmetic3A_500 : i32 to vector<16xi32>
    %shift_right_arithmetic3A_502 = arith.shrsi %scan3A_496#1, %shift_right_arithmetic3A_501 : vector<16xi32>
    %and3A_503 = arith.constant 1 : i32
    %and3A_504 = vector.broadcast %and3A_503 : i32 to vector<16xi32>
    %and3A_505 = arith.andi %shift_right_arithmetic3A_502, %and3A_504 : vector<16xi32>
    %add3A_506 = arith.addi %broadcast_in_dim3A_499, %and3A_505 : vector<16xi32>
    %shift_right_arithmetic3A_507 = arith.constant 1 : i32
    %shift_right_arithmetic3A_508 = vector.broadcast %shift_right_arithmetic3A_507 : i32 to vector<16xi32>
    %shift_right_arithmetic3A_509 = arith.shrsi %scan3A_496#1, %shift_right_arithmetic3A_508 : vector<16xi32>
    %and3A_510 = arith.constant 1 : i32
    %and3A_511 = vector.broadcast %and3A_510 : i32 to vector<16xi32>
    %and3A_512 = arith.andi %shift_right_arithmetic3A_509, %and3A_511 : vector<16xi32>
    %add3A_513 = arith.addi %add3A_506, %and3A_512 : vector<16xi32>
    %shift_right_arithmetic3A_514 = arith.constant 2 : i32
    %shift_right_arithmetic3A_515 = vector.broadcast %shift_right_arithmetic3A_514 : i32 to vector<16xi32>
    %shift_right_arithmetic3A_516 = arith.shrsi %scan3A_496#1, %shift_right_arithmetic3A_515 : vector<16xi32>
    %and3A_517 = arith.constant 1 : i32
    %and3A_518 = vector.broadcast %and3A_517 : i32 to vector<16xi32>
    %and3A_519 = arith.andi %shift_right_arithmetic3A_516, %and3A_518 : vector<16xi32>
    %add3A_520 = arith.addi %add3A_513, %and3A_519 : vector<16xi32>
    %shift_right_arithmetic3A_521 = arith.constant 3 : i32
    %shift_right_arithmetic3A_522 = vector.broadcast %shift_right_arithmetic3A_521 : i32 to vector<16xi32>
    %shift_right_arithmetic3A_523 = arith.shrsi %scan3A_496#1, %shift_right_arithmetic3A_522 : vector<16xi32>
    %and3A_524 = arith.constant 1 : i32
    %and3A_525 = vector.broadcast %and3A_524 : i32 to vector<16xi32>
    %and3A_526 = arith.andi %shift_right_arithmetic3A_523, %and3A_525 : vector<16xi32>
    %add3A_527 = arith.addi %add3A_520, %and3A_526 : vector<16xi32>
    %shift_right_arithmetic3A_528 = arith.constant 4 : i32
    %shift_right_arithmetic3A_529 = vector.broadcast %shift_right_arithmetic3A_528 : i32 to vector<16xi32>
    %shift_right_arithmetic3A_530 = arith.shrsi %scan3A_496#1, %shift_right_arithmetic3A_529 : vector<16xi32>
    %and3A_531 = arith.constant 1 : i32
    %and3A_532 = vector.broadcast %and3A_531 : i32 to vector<16xi32>
    %and3A_533 = arith.andi %shift_right_arithmetic3A_530, %and3A_532 : vector<16xi32>
    %add3A_534 = arith.addi %add3A_527, %and3A_533 : vector<16xi32>
    %shift_right_arithmetic3A_535 = arith.constant 5 : i32
    %shift_right_arithmetic3A_536 = vector.broadcast %shift_right_arithmetic3A_535 : i32 to vector<16xi32>
    %shift_right_arithmetic3A_537 = arith.shrsi %scan3A_496#1, %shift_right_arithmetic3A_536 : vector<16xi32>
    %and3A_538 = arith.constant 1 : i32
    %and3A_539 = vector.broadcast %and3A_538 : i32 to vector<16xi32>
    %and3A_540 = arith.andi %shift_right_arithmetic3A_537, %and3A_539 : vector<16xi32>
    %add3A_541 = arith.addi %add3A_534, %and3A_540 : vector<16xi32>
    %shift_right_arithmetic3A_542 = arith.constant 6 : i32
    %shift_right_arithmetic3A_543 = vector.broadcast %shift_right_arithmetic3A_542 : i32 to vector<16xi32>
    %shift_right_arithmetic3A_544 = arith.shrsi %scan3A_496#1, %shift_right_arithmetic3A_543 : vector<16xi32>
    %and3A_545 = arith.constant 1 : i32
    %and3A_546 = vector.broadcast %and3A_545 : i32 to vector<16xi32>
    %and3A_547 = arith.andi %shift_right_arithmetic3A_544, %and3A_546 : vector<16xi32>
    %sub3A_548 = arith.subi %add3A_541, %and3A_547 : vector<16xi32>
    %shift_right_arithmetic3A_549 = arith.constant 7 : i32
    %shift_right_arithmetic3A_550 = vector.broadcast %shift_right_arithmetic3A_549 : i32 to vector<16xi32>
    %shift_right_arithmetic3A_551 = arith.shrsi %scan3A_496#1, %shift_right_arithmetic3A_550 : vector<16xi32>
    %and3A_552 = arith.constant 1 : i32
    %and3A_553 = vector.broadcast %and3A_552 : i32 to vector<16xi32>
    %and3A_554 = arith.andi %shift_right_arithmetic3A_551, %and3A_553 : vector<16xi32>
    %sub3A_555 = arith.subi %sub3A_548, %and3A_554 : vector<16xi32>
    %shift_right_arithmetic3A_556 = arith.constant 8 : i32
    %shift_right_arithmetic3A_557 = vector.broadcast %shift_right_arithmetic3A_556 : i32 to vector<16xi32>
    %shift_right_arithmetic3A_558 = arith.shrsi %scan3A_496#1, %shift_right_arithmetic3A_557 : vector<16xi32>
    %and3A_559 = arith.constant 1 : i32
    %and3A_560 = vector.broadcast %and3A_559 : i32 to vector<16xi32>
    %and3A_561 = arith.andi %shift_right_arithmetic3A_558, %and3A_560 : vector<16xi32>
    %sub3A_562 = arith.subi %sub3A_555, %and3A_561 : vector<16xi32>
    %shift_right_arithmetic3A_563 = arith.constant 9 : i32
    %shift_right_arithmetic3A_564 = vector.broadcast %shift_right_arithmetic3A_563 : i32 to vector<16xi32>
    %shift_right_arithmetic3A_565 = arith.shrsi %scan3A_496#1, %shift_right_arithmetic3A_564 : vector<16xi32>
    %and3A_566 = arith.constant 1 : i32
    %and3A_567 = vector.broadcast %and3A_566 : i32 to vector<16xi32>
    %and3A_568 = arith.andi %shift_right_arithmetic3A_565, %and3A_567 : vector<16xi32>
    %sub3A_569 = arith.subi %sub3A_562, %and3A_568 : vector<16xi32>
    %mul3A_570 = arith.mulf %scan3A_496#0, %broadcast_in_dim3A_7 : vector<16xf32>
    %convert_element_type3A_571 = arith.sitofp %sub3A_569 : vector<16xi32> to vector<16xf32>
    %mul3A_572 = arith.constant 5.000000e-01 : f32
    %mul3A_573 = vector.broadcast %mul3A_572 : f32 to vector<16xf32>
    %mul3A_574 = arith.mulf %mul3A_573, %convert_element_type3A_571 : vector<16xf32>
    %add3A_575 = arith.addf %mul3A_570, %mul3A_574 : vector<16xf32>
    %swap3A_576 = arith.constant 80 : index
    %swap3A_577 = tpu.vector_load %arg9[%swap3A_576] {strides = array<i32>} : memref<128xf32, #tpu.memory_space<vmem>>, vector<16xf32>,
    tpu.vector_store %arg9[%swap3A_576], %add3A_575 {strides = array<i32>} : memref<128xf32, #tpu.memory_space<vmem>>, vector<16xf32>,
    %mul3A_578 = arith.constant 200 : i32
    %mul3A_579 = vector.broadcast %mul3A_578 : i32 to vector<16xi32>
    %mul3A_580 = arith.muli %iota3A, %mul3A_579 : vector<16xi32>
    %add3A_581 = arith.constant 19200 : i32
    %add3A_582 = vector.broadcast %add3A_581 : i32 to vector<16xi32>
    %add3A_583 = arith.addi %add3A_582, %mul3A_580 : vector<16xi32>
    %broadcast_in_dim3A_584 = arith.constant 0.000000e+00 : f32
    %broadcast_in_dim3A_585 = vector.broadcast %broadcast_in_dim3A_584 : f32 to vector<16xf32>
    %broadcast_in_dim3A_586 = arith.constant 0 : i32
    %broadcast_in_dim3A_587 = vector.broadcast %broadcast_in_dim3A_586 : i32 to vector<16xi32>
    %scan3A_588 = arith.constant 0 : i32
    %scan3A_589 = arith.constant 200 : i32
    %scan3A_590 = arith.addi %scan3A_588, %scan3A_589 : i32
    %scan3A_591 = arith.constant 1 : i32
    %scan3A_592:2 = scf.for %scan3A_770 = %scan3A_588 to %scan3A_590 step %scan3A_591 iter_args(%scan3A_771 = %broadcast_in_dim3A_585, %scan3A_772 = %broadcast_in_dim3A_587) -> (vector<16xf32>, vector<16xi32>)  : i32 {
      %add3A_773 = vector.broadcast %scan3A_770 : i32 to vector<16xi32>
      %add3A_774 = arith.addi %add3A_583, %add3A_773 : vector<16xi32>
      %gather3A = tpu.vector_load_idx %arg8[%add3A_774] : memref<25600xi32, #tpu.memory_space<vmem>>[vector<16xi32>], vector<16xi32>,
      %shift_right_arithmetic3A_775 = arith.constant 7 : i32
      %shift_right_arithmetic3A_776 = vector.broadcast %shift_right_arithmetic3A_775 : i32 to vector<16xi32>
      %shift_right_arithmetic3A_777 = arith.shrsi %gather3A, %shift_right_arithmetic3A_776 : vector<16xi32>
      %and3A_778 = arith.constant 127 : i32
      %and3A_779 = vector.broadcast %and3A_778 : i32 to vector<16xi32>
      %and3A_780 = arith.andi %gather3A, %and3A_779 : vector<16xi32>
      %gather3A_781 = tpu.vector_load_idx %arg6[%shift_right_arithmetic3A_777, %and3A_780] : memref<784x128xf32, #tpu.memory_space<vmem>>[vector<16xi32>, vector<16xi32>], vector<16xf32>,
      %add3A_782 = arith.addf %scan3A_771, %gather3A_781 : vector<16xf32>
      %min3A = arith.constant 63 : i32
      %min3A_783 = vector.broadcast %min3A : i32 to vector<16xi32>
      %min3A_784 = arith.minsi %gather3A, %min3A_783 : vector<16xi32>
      %gather3A_785 = tpu.vector_load_idx %arg7[%min3A_784] : memref<64xi32, #tpu.memory_space<vmem>>[vector<16xi32>], vector<16xi32>,
      %or3A = arith.ori %scan3A_772, %gather3A_785 : vector<16xi32>
      scf.yield %add3A_782, %or3A : vector<16xf32>, vector<16xi32>
    }
    %scan3A_593 = arith.constant 200 : i32
    %broadcast_in_dim3A_594 = arith.constant 0 : i32
    %broadcast_in_dim3A_595 = vector.broadcast %broadcast_in_dim3A_594 : i32 to vector<16xi32>
    %shift_right_arithmetic3A_596 = arith.constant 0 : i32
    %shift_right_arithmetic3A_597 = vector.broadcast %shift_right_arithmetic3A_596 : i32 to vector<16xi32>
    %shift_right_arithmetic3A_598 = arith.shrsi %scan3A_592#1, %shift_right_arithmetic3A_597 : vector<16xi32>
    %and3A_599 = arith.constant 1 : i32
    %and3A_600 = vector.broadcast %and3A_599 : i32 to vector<16xi32>
    %and3A_601 = arith.andi %shift_right_arithmetic3A_598, %and3A_600 : vector<16xi32>
    %add3A_602 = arith.addi %broadcast_in_dim3A_595, %and3A_601 : vector<16xi32>
    %shift_right_arithmetic3A_603 = arith.constant 1 : i32
    %shift_right_arithmetic3A_604 = vector.broadcast %shift_right_arithmetic3A_603 : i32 to vector<16xi32>
    %shift_right_arithmetic3A_605 = arith.shrsi %scan3A_592#1, %shift_right_arithmetic3A_604 : vector<16xi32>
    %and3A_606 = arith.constant 1 : i32
    %and3A_607 = vector.broadcast %and3A_606 : i32 to vector<16xi32>
    %and3A_608 = arith.andi %shift_right_arithmetic3A_605, %and3A_607 : vector<16xi32>
    %add3A_609 = arith.addi %add3A_602, %and3A_608 : vector<16xi32>
    %shift_right_arithmetic3A_610 = arith.constant 2 : i32
    %shift_right_arithmetic3A_611 = vector.broadcast %shift_right_arithmetic3A_610 : i32 to vector<16xi32>
    %shift_right_arithmetic3A_612 = arith.shrsi %scan3A_592#1, %shift_right_arithmetic3A_611 : vector<16xi32>
    %and3A_613 = arith.constant 1 : i32
    %and3A_614 = vector.broadcast %and3A_613 : i32 to vector<16xi32>
    %and3A_615 = arith.andi %shift_right_arithmetic3A_612, %and3A_614 : vector<16xi32>
    %add3A_616 = arith.addi %add3A_609, %and3A_615 : vector<16xi32>
    %shift_right_arithmetic3A_617 = arith.constant 3 : i32
    %shift_right_arithmetic3A_618 = vector.broadcast %shift_right_arithmetic3A_617 : i32 to vector<16xi32>
    %shift_right_arithmetic3A_619 = arith.shrsi %scan3A_592#1, %shift_right_arithmetic3A_618 : vector<16xi32>
    %and3A_620 = arith.constant 1 : i32
    %and3A_621 = vector.broadcast %and3A_620 : i32 to vector<16xi32>
    %and3A_622 = arith.andi %shift_right_arithmetic3A_619, %and3A_621 : vector<16xi32>
    %add3A_623 = arith.addi %add3A_616, %and3A_622 : vector<16xi32>
    %shift_right_arithmetic3A_624 = arith.constant 4 : i32
    %shift_right_arithmetic3A_625 = vector.broadcast %shift_right_arithmetic3A_624 : i32 to vector<16xi32>
    %shift_right_arithmetic3A_626 = arith.shrsi %scan3A_592#1, %shift_right_arithmetic3A_625 : vector<16xi32>
    %and3A_627 = arith.constant 1 : i32
    %and3A_628 = vector.broadcast %and3A_627 : i32 to vector<16xi32>
    %and3A_629 = arith.andi %shift_right_arithmetic3A_626, %and3A_628 : vector<16xi32>
    %add3A_630 = arith.addi %add3A_623, %and3A_629 : vector<16xi32>
    %shift_right_arithmetic3A_631 = arith.constant 5 : i32
    %shift_right_arithmetic3A_632 = vector.broadcast %shift_right_arithmetic3A_631 : i32 to vector<16xi32>
    %shift_right_arithmetic3A_633 = arith.shrsi %scan3A_592#1, %shift_right_arithmetic3A_632 : vector<16xi32>
    %and3A_634 = arith.constant 1 : i32
    %and3A_635 = vector.broadcast %and3A_634 : i32 to vector<16xi32>
    %and3A_636 = arith.andi %shift_right_arithmetic3A_633, %and3A_635 : vector<16xi32>
    %add3A_637 = arith.addi %add3A_630, %and3A_636 : vector<16xi32>
    %shift_right_arithmetic3A_638 = arith.constant 6 : i32
    %shift_right_arithmetic3A_639 = vector.broadcast %shift_right_arithmetic3A_638 : i32 to vector<16xi32>
    %shift_right_arithmetic3A_640 = arith.shrsi %scan3A_592#1, %shift_right_arithmetic3A_639 : vector<16xi32>
    %and3A_641 = arith.constant 1 : i32
    %and3A_642 = vector.broadcast %and3A_641 : i32 to vector<16xi32>
    %and3A_643 = arith.andi %shift_right_arithmetic3A_640, %and3A_642 : vector<16xi32>
    %sub3A_644 = arith.subi %add3A_637, %and3A_643 : vector<16xi32>
    %shift_right_arithmetic3A_645 = arith.constant 7 : i32
    %shift_right_arithmetic3A_646 = vector.broadcast %shift_right_arithmetic3A_645 : i32 to vector<16xi32>
    %shift_right_arithmetic3A_647 = arith.shrsi %scan3A_592#1, %shift_right_arithmetic3A_646 : vector<16xi32>
    %and3A_648 = arith.constant 1 : i32
    %and3A_649 = vector.broadcast %and3A_648 : i32 to vector<16xi32>
    %and3A_650 = arith.andi %shift_right_arithmetic3A_647, %and3A_649 : vector<16xi32>
    %sub3A_651 = arith.subi %sub3A_644, %and3A_650 : vector<16xi32>
    %shift_right_arithmetic3A_652 = arith.constant 8 : i32
    %shift_right_arithmetic3A_653 = vector.broadcast %shift_right_arithmetic3A_652 : i32 to vector<16xi32>
    %shift_right_arithmetic3A_654 = arith.shrsi %scan3A_592#1, %shift_right_arithmetic3A_653 : vector<16xi32>
    %and3A_655 = arith.constant 1 : i32
    %and3A_656 = vector.broadcast %and3A_655 : i32 to vector<16xi32>
    %and3A_657 = arith.andi %shift_right_arithmetic3A_654, %and3A_656 : vector<16xi32>
    %sub3A_658 = arith.subi %sub3A_651, %and3A_657 : vector<16xi32>
    %shift_right_arithmetic3A_659 = arith.constant 9 : i32
    %shift_right_arithmetic3A_660 = vector.broadcast %shift_right_arithmetic3A_659 : i32 to vector<16xi32>
    %shift_right_arithmetic3A_661 = arith.shrsi %scan3A_592#1, %shift_right_arithmetic3A_660 : vector<16xi32>
    %and3A_662 = arith.constant 1 : i32
    %and3A_663 = vector.broadcast %and3A_662 : i32 to vector<16xi32>
    %and3A_664 = arith.andi %shift_right_arithmetic3A_661, %and3A_663 : vector<16xi32>
    %sub3A_665 = arith.subi %sub3A_658, %and3A_664 : vector<16xi32>
    %mul3A_666 = arith.mulf %scan3A_592#0, %broadcast_in_dim3A_7 : vector<16xf32>
    %convert_element_type3A_667 = arith.sitofp %sub3A_665 : vector<16xi32> to vector<16xf32>
    %mul3A_668 = arith.constant 5.000000e-01 : f32
    %mul3A_669 = vector.broadcast %mul3A_668 : f32 to vector<16xf32>
    %mul3A_670 = arith.mulf %mul3A_669, %convert_element_type3A_667 : vector<16xf32>
    %add3A_671 = arith.addf %mul3A_666, %mul3A_670 : vector<16xf32>
    %swap3A_672 = arith.constant 96 : index
    %swap3A_673 = tpu.vector_load %arg9[%swap3A_672] {strides = array<i32>} : memref<128xf32, #tpu.memory_space<vmem>>, vector<16xf32>,
    tpu.vector_store %arg9[%swap3A_672], %add3A_671 {strides = array<i32>} : memref<128xf32, #tpu.memory_space<vmem>>, vector<16xf32>,
    %mul3A_674 = arith.constant 200 : i32
    %mul3A_675 = vector.broadcast %mul3A_674 : i32 to vector<16xi32>
    %mul3A_676 = arith.muli %iota3A, %mul3A_675 : vector<16xi32>
    %add3A_677 = arith.constant 22400 : i32
    %add3A_678 = vector.broadcast %add3A_677 : i32 to vector<16xi32>
    %add3A_679 = arith.addi %add3A_678, %mul3A_676 : vector<16xi32>
    %broadcast_in_dim3A_680 = arith.constant 0.000000e+00 : f32
    %broadcast_in_dim3A_681 = vector.broadcast %broadcast_in_dim3A_680 : f32 to vector<16xf32>
    %broadcast_in_dim3A_682 = arith.constant 0 : i32
    %broadcast_in_dim3A_683 = vector.broadcast %broadcast_in_dim3A_682 : i32 to vector<16xi32>
    %scan3A_684 = arith.constant 0 : i32
    %scan3A_685 = arith.constant 200 : i32
    %scan3A_686 = arith.addi %scan3A_684, %scan3A_685 : i32
    %scan3A_687 = arith.constant 1 : i32
    %scan3A_688:2 = scf.for %scan3A_770 = %scan3A_684 to %scan3A_686 step %scan3A_687 iter_args(%scan3A_771 = %broadcast_in_dim3A_681, %scan3A_772 = %broadcast_in_dim3A_683) -> (vector<16xf32>, vector<16xi32>)  : i32 {
      %add3A_773 = vector.broadcast %scan3A_770 : i32 to vector<16xi32>
      %add3A_774 = arith.addi %add3A_679, %add3A_773 : vector<16xi32>
      %gather3A = tpu.vector_load_idx %arg8[%add3A_774] : memref<25600xi32, #tpu.memory_space<vmem>>[vector<16xi32>], vector<16xi32>,
      %shift_right_arithmetic3A_775 = arith.constant 7 : i32
      %shift_right_arithmetic3A_776 = vector.broadcast %shift_right_arithmetic3A_775 : i32 to vector<16xi32>
      %shift_right_arithmetic3A_777 = arith.shrsi %gather3A, %shift_right_arithmetic3A_776 : vector<16xi32>
      %and3A_778 = arith.constant 127 : i32
      %and3A_779 = vector.broadcast %and3A_778 : i32 to vector<16xi32>
      %and3A_780 = arith.andi %gather3A, %and3A_779 : vector<16xi32>
      %gather3A_781 = tpu.vector_load_idx %arg6[%shift_right_arithmetic3A_777, %and3A_780] : memref<784x128xf32, #tpu.memory_space<vmem>>[vector<16xi32>, vector<16xi32>], vector<16xf32>,
      %add3A_782 = arith.addf %scan3A_771, %gather3A_781 : vector<16xf32>
      %min3A = arith.constant 63 : i32
      %min3A_783 = vector.broadcast %min3A : i32 to vector<16xi32>
      %min3A_784 = arith.minsi %gather3A, %min3A_783 : vector<16xi32>
      %gather3A_785 = tpu.vector_load_idx %arg7[%min3A_784] : memref<64xi32, #tpu.memory_space<vmem>>[vector<16xi32>], vector<16xi32>,
      %or3A = arith.ori %scan3A_772, %gather3A_785 : vector<16xi32>
      scf.yield %add3A_782, %or3A : vector<16xf32>, vector<16xi32>
    }
    %scan3A_689 = arith.constant 200 : i32
    %broadcast_in_dim3A_690 = arith.constant 0 : i32
    %broadcast_in_dim3A_691 = vector.broadcast %broadcast_in_dim3A_690 : i32 to vector<16xi32>
    %shift_right_arithmetic3A_692 = arith.constant 0 : i32
    %shift_right_arithmetic3A_693 = vector.broadcast %shift_right_arithmetic3A_692 : i32 to vector<16xi32>
    %shift_right_arithmetic3A_694 = arith.shrsi %scan3A_688#1, %shift_right_arithmetic3A_693 : vector<16xi32>
    %and3A_695 = arith.constant 1 : i32
    %and3A_696 = vector.broadcast %and3A_695 : i32 to vector<16xi32>
    %and3A_697 = arith.andi %shift_right_arithmetic3A_694, %and3A_696 : vector<16xi32>
    %add3A_698 = arith.addi %broadcast_in_dim3A_691, %and3A_697 : vector<16xi32>
    %shift_right_arithmetic3A_699 = arith.constant 1 : i32
    %shift_right_arithmetic3A_700 = vector.broadcast %shift_right_arithmetic3A_699 : i32 to vector<16xi32>
    %shift_right_arithmetic3A_701 = arith.shrsi %scan3A_688#1, %shift_right_arithmetic3A_700 : vector<16xi32>
    %and3A_702 = arith.constant 1 : i32
    %and3A_703 = vector.broadcast %and3A_702 : i32 to vector<16xi32>
    %and3A_704 = arith.andi %shift_right_arithmetic3A_701, %and3A_703 : vector<16xi32>
    %add3A_705 = arith.addi %add3A_698, %and3A_704 : vector<16xi32>
    %shift_right_arithmetic3A_706 = arith.constant 2 : i32
    %shift_right_arithmetic3A_707 = vector.broadcast %shift_right_arithmetic3A_706 : i32 to vector<16xi32>
    %shift_right_arithmetic3A_708 = arith.shrsi %scan3A_688#1, %shift_right_arithmetic3A_707 : vector<16xi32>
    %and3A_709 = arith.constant 1 : i32
    %and3A_710 = vector.broadcast %and3A_709 : i32 to vector<16xi32>
    %and3A_711 = arith.andi %shift_right_arithmetic3A_708, %and3A_710 : vector<16xi32>
    %add3A_712 = arith.addi %add3A_705, %and3A_711 : vector<16xi32>
    %shift_right_arithmetic3A_713 = arith.constant 3 : i32
    %shift_right_arithmetic3A_714 = vector.broadcast %shift_right_arithmetic3A_713 : i32 to vector<16xi32>
    %shift_right_arithmetic3A_715 = arith.shrsi %scan3A_688#1, %shift_right_arithmetic3A_714 : vector<16xi32>
    %and3A_716 = arith.constant 1 : i32
    %and3A_717 = vector.broadcast %and3A_716 : i32 to vector<16xi32>
    %and3A_718 = arith.andi %shift_right_arithmetic3A_715, %and3A_717 : vector<16xi32>
    %add3A_719 = arith.addi %add3A_712, %and3A_718 : vector<16xi32>
    %shift_right_arithmetic3A_720 = arith.constant 4 : i32
    %shift_right_arithmetic3A_721 = vector.broadcast %shift_right_arithmetic3A_720 : i32 to vector<16xi32>
    %shift_right_arithmetic3A_722 = arith.shrsi %scan3A_688#1, %shift_right_arithmetic3A_721 : vector<16xi32>
    %and3A_723 = arith.constant 1 : i32
    %and3A_724 = vector.broadcast %and3A_723 : i32 to vector<16xi32>
    %and3A_725 = arith.andi %shift_right_arithmetic3A_722, %and3A_724 : vector<16xi32>
    %add3A_726 = arith.addi %add3A_719, %and3A_725 : vector<16xi32>
    %shift_right_arithmetic3A_727 = arith.constant 5 : i32
    %shift_right_arithmetic3A_728 = vector.broadcast %shift_right_arithmetic3A_727 : i32 to vector<16xi32>
    %shift_right_arithmetic3A_729 = arith.shrsi %scan3A_688#1, %shift_right_arithmetic3A_728 : vector<16xi32>
    %and3A_730 = arith.constant 1 : i32
    %and3A_731 = vector.broadcast %and3A_730 : i32 to vector<16xi32>
    %and3A_732 = arith.andi %shift_right_arithmetic3A_729, %and3A_731 : vector<16xi32>
    %add3A_733 = arith.addi %add3A_726, %and3A_732 : vector<16xi32>
    %shift_right_arithmetic3A_734 = arith.constant 6 : i32
    %shift_right_arithmetic3A_735 = vector.broadcast %shift_right_arithmetic3A_734 : i32 to vector<16xi32>
    %shift_right_arithmetic3A_736 = arith.shrsi %scan3A_688#1, %shift_right_arithmetic3A_735 : vector<16xi32>
    %and3A_737 = arith.constant 1 : i32
    %and3A_738 = vector.broadcast %and3A_737 : i32 to vector<16xi32>
    %and3A_739 = arith.andi %shift_right_arithmetic3A_736, %and3A_738 : vector<16xi32>
    %sub3A_740 = arith.subi %add3A_733, %and3A_739 : vector<16xi32>
    %shift_right_arithmetic3A_741 = arith.constant 7 : i32
    %shift_right_arithmetic3A_742 = vector.broadcast %shift_right_arithmetic3A_741 : i32 to vector<16xi32>
    %shift_right_arithmetic3A_743 = arith.shrsi %scan3A_688#1, %shift_right_arithmetic3A_742 : vector<16xi32>
    %and3A_744 = arith.constant 1 : i32
    %and3A_745 = vector.broadcast %and3A_744 : i32 to vector<16xi32>
    %and3A_746 = arith.andi %shift_right_arithmetic3A_743, %and3A_745 : vector<16xi32>
    %sub3A_747 = arith.subi %sub3A_740, %and3A_746 : vector<16xi32>
    %shift_right_arithmetic3A_748 = arith.constant 8 : i32
    %shift_right_arithmetic3A_749 = vector.broadcast %shift_right_arithmetic3A_748 : i32 to vector<16xi32>
    %shift_right_arithmetic3A_750 = arith.shrsi %scan3A_688#1, %shift_right_arithmetic3A_749 : vector<16xi32>
    %and3A_751 = arith.constant 1 : i32
    %and3A_752 = vector.broadcast %and3A_751 : i32 to vector<16xi32>
    %and3A_753 = arith.andi %shift_right_arithmetic3A_750, %and3A_752 : vector<16xi32>
    %sub3A_754 = arith.subi %sub3A_747, %and3A_753 : vector<16xi32>
    %shift_right_arithmetic3A_755 = arith.constant 9 : i32
    %shift_right_arithmetic3A_756 = vector.broadcast %shift_right_arithmetic3A_755 : i32 to vector<16xi32>
    %shift_right_arithmetic3A_757 = arith.shrsi %scan3A_688#1, %shift_right_arithmetic3A_756 : vector<16xi32>
    %and3A_758 = arith.constant 1 : i32
    %and3A_759 = vector.broadcast %and3A_758 : i32 to vector<16xi32>
    %and3A_760 = arith.andi %shift_right_arithmetic3A_757, %and3A_759 : vector<16xi32>
    %sub3A_761 = arith.subi %sub3A_754, %and3A_760 : vector<16xi32>
    %mul3A_762 = arith.mulf %scan3A_688#0, %broadcast_in_dim3A_7 : vector<16xf32>
    %convert_element_type3A_763 = arith.sitofp %sub3A_761 : vector<16xi32> to vector<16xf32>
    %mul3A_764 = arith.constant 5.000000e-01 : f32
    %mul3A_765 = vector.broadcast %mul3A_764 : f32 to vector<16xf32>
    %mul3A_766 = arith.mulf %mul3A_765, %convert_element_type3A_763 : vector<16xf32>
    %add3A_767 = arith.addf %mul3A_762, %mul3A_766 : vector<16xf32>
    %swap3A_768 = arith.constant 112 : index
    %swap3A_769 = tpu.vector_load %arg9[%swap3A_768] {strides = array<i32>} : memref<128xf32, #tpu.memory_space<vmem>>, vector<16xf32>,
    tpu.vector_store %arg9[%swap3A_768], %add3A_767 {strides = array<i32>} : memref<128xf32, #tpu.memory_space<vmem>>, vector<16xf32>,
    "tpu.region"() ({
      %run_scoped3A = tpu.sem_alloc : memref<!tpu.dma_semaphore, #tpu.memory_space<semaphore_mem>>
      %dma_start3A_770 = tpu.memref_slice %arg5[%mul3A_2] : memref<4096xf32, #tpu.memory_space<hbm>> -> memref<128xf32, #tpu.memory_space<hbm>>
      %dma_start3A_771 = tpu.memref_slice %arg5[%mul3A_2] : memref<4096xf32, #tpu.memory_space<hbm>> -> memref<128xf32, #tpu.memory_space<hbm>>
      tpu.enqueue_dma source(%arg9 : memref<128xf32, #tpu.memory_space<vmem>>) target(%dma_start3A_771 : memref<128xf32, #tpu.memory_space<hbm>>) target_semaphore(%run_scoped3A : memref<!tpu.dma_semaphore, #tpu.memory_space<semaphore_mem>>)
      %dma_wait3A_772 = tpu.memref_slice %arg5[%mul3A_2] : memref<4096xf32, #tpu.memory_space<hbm>> -> memref<128xf32, #tpu.memory_space<hbm>>
      %dma_wait3A_773 = tpu.memref_slice %arg5[%mul3A_2] : memref<4096xf32, #tpu.memory_space<hbm>> -> memref<128xf32, #tpu.memory_space<hbm>>
      tpu.wait_dma2 semaphore(%run_scoped3A : memref<!tpu.dma_semaphore, #tpu.memory_space<semaphore_mem>>) src(%arg9 : memref<128xf32, #tpu.memory_space<vmem>>) dst(%dma_wait3A_773 : memref<128xf32, #tpu.memory_space<hbm>>)
      tpu.yield
    }) : () -> ()
    return
  }
}

module attributes {stable_mosaic.version = 14 : i64} {
  func.func @_tc_head_body(%arg0: i32, %arg1: memref<1x64xf32, #tpu.memory_space<vmem>>, %arg2: memref<1x1xf32, #tpu.memory_space<vmem>>, %arg3: memref<14336x64xf32, #tpu.memory_space<vmem>>, %arg4: memref<112x128xf32, #tpu.memory_space<vmem>>) attributes {dimension_semantics = [#tpu.dimension_semantics<arbitrary>], iteration_bounds = array<i64: 7>, scalar_prefetch = 0 : i64, scratch_operands = 0 : i64, tpu.core_type = #tpu.core_type<tc>, window_params = [{pipeline_mode = #tpu.pipeline_mode<synchronous>, transform_indices = @transform_0, window_bounds = array<i64: 1, 64>}, {pipeline_mode = #tpu.pipeline_mode<synchronous>, transform_indices = @transform_1, window_bounds = array<i64: 1, 1>}, {transform_indices = @transform_2, window_bounds = array<i64: 14336, 64>}, {transform_indices = @transform_3, window_bounds = array<i64: 112, 128>}]} {
    %get3A = arith.constant 0 : index
    %get3A_0 = arith.constant 0 : index
    %get3A_1 = vector.load %arg3[%get3A, %get3A_0] : memref<14336x64xf32, #tpu.memory_space<vmem>>, vector<14336x64xf32>
    %get3A_2 = arith.constant 0 : index
    %get3A_3 = arith.constant 0 : index
    %get3A_4 = vector.load %arg1[%get3A_2, %get3A_3] : memref<1x64xf32, #tpu.memory_space<vmem>>, vector<1x64xf32>
    %mul3A = vector.broadcast %get3A_4 : vector<1x64xf32> to vector<14336x64xf32>
    %mul3A_5 = arith.mulf %get3A_1, %mul3A : vector<14336x64xf32>
    %reduce_sum3A = arith.constant dense<0.000000e+00> : vector<14336xf32>
    %reduce_sum3A_6 = vector.multi_reduction <add>, %mul3A_5, %reduce_sum3A [1] : vector<14336x64xf32> to vector<14336xf32>
    %get3A_7 = arith.constant 0 : index
    %get3A_8 = arith.constant 0 : index
    %get3A_9 = vector.load %arg2[%get3A_7, %get3A_8] : memref<1x1xf32, #tpu.memory_space<vmem>>, vector<1x1xf32>
    %get3A_10 = vector.extract %get3A_9[0, 0] : f32 from vector<1x1xf32>
    %add3A = vector.broadcast %get3A_10 : f32 to vector<14336xf32>
    %add3A_11 = arith.addf %reduce_sum3A_6, %add3A : vector<14336xf32>
    %eq3A = arith.constant 0 : i32
    %eq3A_12 = arith.cmpi eq, %arg0, %eq3A : i32
    %convert_element_type3A = arith.extui %eq3A_12 : i1 to i32
    %cond3A = arith.constant 0 : i32
    %cond3A_13 = arith.cmpi ne, %convert_element_type3A, %cond3A : i32
    scf.if %cond3A_13 {
      %iota3A = tpu.iota {dimensions = array<i32: 1>} : vector<1x14336xi32>
      %iota3A_18 = vector.shape_cast %iota3A : vector<1x14336xi32> to vector<14336xi32>
      %eq3A_19 = arith.constant 0 : i32
      %eq3A_20 = vector.broadcast %eq3A_19 : i32 to vector<14336xi32>
      %eq3A_21 = arith.cmpi eq, %iota3A_18, %eq3A_20 : vector<14336xi32>
      %get3A_22 = arith.constant 0 : index
      %get3A_23 = arith.constant 0 : index
      %get3A_24 = vector.load %arg2[%get3A_22, %get3A_23] : memref<1x1xf32, #tpu.memory_space<vmem>>, vector<1x1xf32>
      %get3A_25 = vector.extract %get3A_24[0, 0] : f32 from vector<1x1xf32>
      %broadcast_in_dim3A = vector.broadcast %get3A_25 : f32 to vector<14336xf32>
      %select_n3A = arith.select %eq3A_21, %broadcast_in_dim3A, %add3A_11 : vector<14336xi1>, vector<14336xf32>
      %reshape3A = vector.shape_cast %select_n3A : vector<14336xf32> to vector<112x128xf32>
      %swap3A = arith.constant 0 : index
      %swap3A_26 = arith.constant 0 : index
      %swap3A_27 = vector.load %arg4[%swap3A, %swap3A_26] : memref<112x128xf32, #tpu.memory_space<vmem>>, vector<112x128xf32>
      tpu.vector_store %arg4[%swap3A, %swap3A_26], %reshape3A {strides = array<i32>} : memref<112x128xf32, #tpu.memory_space<vmem>>, vector<112x128xf32>,
    } else {
    }
    %ne3A = arith.constant 0 : i32
    %ne3A_14 = arith.cmpi ne, %arg0, %ne3A : i32
    %convert_element_type3A_15 = arith.extui %ne3A_14 : i1 to i32
    %cond3A_16 = arith.constant 0 : i32
    %cond3A_17 = arith.cmpi ne, %convert_element_type3A_15, %cond3A_16 : i32
    scf.if %cond3A_17 {
      %reshape3A = vector.shape_cast %add3A_11 : vector<14336xf32> to vector<112x128xf32>
      %swap3A = arith.constant 0 : index
      %swap3A_18 = arith.constant 0 : index
      %swap3A_19 = vector.load %arg4[%swap3A, %swap3A_18] : memref<112x128xf32, #tpu.memory_space<vmem>>, vector<112x128xf32>
      tpu.vector_store %arg4[%swap3A, %swap3A_18], %reshape3A {strides = array<i32>} : memref<112x128xf32, #tpu.memory_space<vmem>>, vector<112x128xf32>,
    } else {
    }
    return
  }
  func.func @transform_0(%arg0: i32) -> (i32, i32) {
    %c0_i32 = arith.constant 0 : i32
    %c0_i32_0 = arith.constant 0 : i32
    %c0_i32_1 = arith.constant 0 : i32
    return %c0_i32, %c0_i32_0 : i32, i32
  }
  func.func @transform_1(%arg0: i32) -> (i32, i32) {
    %c0_i32 = arith.constant 0 : i32
    %c0_i32_0 = arith.constant 0 : i32
    %c0_i32_1 = arith.constant 0 : i32
    return %c0_i32, %c0_i32_0 : i32, i32
  }
  func.func @transform_2(%arg0: i32) -> (i32, i32) {
    %c0_i32 = arith.constant 0 : i32
    %c0_i32_0 = arith.constant 0 : i32
    return %arg0, %c0_i32 : i32, i32
  }
  func.func @transform_3(%arg0: i32) -> (i32, i32) {
    %c0_i32 = arith.constant 0 : i32
    %c0_i32_0 = arith.constant 0 : i32
    return %arg0, %c0_i32 : i32, i32
  }
}

</mosaic_0001>

<sc_bundles>
// kernel: kernel.4.cloned.1.call-start
scs
__scs_entry_jumppad:
0x0: {  	(pc) =	sbr.rel $0x88, $3  }
0x1: {  	(tag) =	ssettag $0x0;
	lr =	simm.s32 $0x1  }
0x2: {  	[smem:$0x3F9D] =	sst lr;
	_ =	strace $0xD0000000  }
0x3: {  	_ = 	snop  }
0x4: {  	_ = 	snop  }
0x5: {  	_ = 	snop  }
0x6: {  	_ = 	snop  }
0x7: {  	_ = 	snop  }
__scs_overlays_trampoline_lowered:
0x8: {  	[smem:$0x3FAC] =	sst s0  }
0x9: {  	[smem:$0x3FAD] =	sst s1  }
0xa: {  	[smem:$0x3FAE] =	sst s2  }
0xb: {  	[smem:$0x3FAF] =	sst s3  }
0xc: {  	[smem:$0x3FB0] =	sst s4  }
0xd: {  	[smem:$0x3FB1] =	sst s5  }
0xe: {  	[smem:$0x3FB2] =	sst s6  }
0xf: {  	[smem:$0x3FB3] =	sst s7  }
0x10: {  	[smem:$0x3FB4] =	sst s8  }
0x11: {  	[smem:$0x3FB5] =	sst s9;
	s0 =	simm.s32 @!p0 $0x0  }
0x12: {  	s1 =	sld [smem:$0x3F9B];
	s0 =	simm.s32 @p0 $0x1  }
0x13: {  	[smem:$0x3FB6] =	sst s0;
	s0 =	simm.s32 @!p1 $0x0  }
0x14: {  	s2 =	sld [smem:$0x3F9A];
	s0 =	simm.s32 @p1 $0x1  }
0x15: {  	[smem:$0x3FB7] =	sst s0;
	s0 =	simm.s32 @!p2 $0x0  }
0x16: {  	s3 =	sld [smem:$0x3FDB];
	s0 =	simm.s32 @p2 $0x1  }
0x17: {  	s4 =	simm.s32 $0x1BF5;
	[smem:$0x3FB9] =	sst s0  }
0x18: {  	s0 =	sld [smem:$0x3F9C];
	_ =	swait.ge [sflag:s4], $0x0  }
0x19: {  	s7 =	sld [smem:$0x3F9D]  }
0x1a: {  	s8 =	sadd.s32 $0xFFFFE003, lr  }
0x1b: {  	s9 =	sadd.s32 $0xFFFFFEF7, lr;
	s5 =	simm.s32 $0xFFFFFFFF;
	p2 =	slt.u32 s8, $0xFFFFF086  }
0x1c: {  	p1 =	slt.u32 s9, $0xF7A;
	s5 =	simm.s32 @!p2 $0x0  }
0x1d: {  	s5 =	simm.s32 @p1 $0x1;
	p0 =	seq.s32 s7, s2  }
0x1e: {  	s7 =	smul.u32 @!p0 $0xF7A, s2;
	p2 =	seq.s32 @!p0 s5, $0x0  }
0x1f: {  	s9 =	smul.u32 $0xF7A, s1;
	s8 =	simm.s32 @!p0 $0x1BF5;
	p2 =	por !p2, p0  }
0x20: {  	[sflag:s8] =	ssyncset.s32 @!p0 $0xFFFFF086;
	s6 =	sadd.s32 @!p0 s3, s7;
	s7 =	simm.s32 @!p0 $0x108  }
0x21: {  	s3 =	sadd.s32 s3, s9;
	s6 =	sadd.s32 @!p0 $0x88, s6;
	s7 =	simm.s32 @p2 $0x1082  }
0x22: {  	[simem:s7], [sflag:s8] =	dma.local @!p0 [hbm:s6], $0xF7A  }
0x23: {  	s9 =	sor.u32 $0xD0000000, s2;
	s6 =	simm.s32 $0x108;
	_ =	swait.ge @!p0 [sflag:s8], $0x0  }
0x24: {  	s3 =	sadd.s32 $0x88, s3;
	s6 =	simm.s32 @!p1 $0x1082;
	[sflag:s4] =	ssyncset.s32 $0xFFFFF086  }
0x25: {  	[simem:s6], [sflag:s4] =	dma.local [hbm:s3], $0xF7A  }
0x26: {  	[smem:$0x3F9D] =	sst s1;
	(tag) =	ssettag s2;
	_ =	strace s9  }
0x27: {  	s1 =	sld [smem:$0x3FAD]  }
0x28: {  	s2 =	sld [smem:$0x3FAE]  }
0x29: {  	s4 =	sld [smem:$0x3FB0]  }
0x2a: {  	p0 =	seq.s32 s5, $0x0;
	s5 =	sld [smem:$0x3FB1]  }
0x2b: {  	s6 =	sld [smem:$0x3FB2]  }
0x2c: {  	s7 =	sld [smem:$0x3FB3]  }
0x2d: {  	s3 =	simm.s32 $0x108;
	s8 =	sld [smem:$0x3FB4]  }
0x2e: {  	s3 =	simm.s32 @!p0 $0x1082;
	s9 =	sld [smem:$0x3FB5]  }
0x2f: {  	lr =	sadd.s32 s0, s3;
	s0 =	sld [smem:$0x3FAC]  }
0x30: {  	s3 =	sld [smem:$0x3FAF]  }
0x31: {  	[smem:$0x3FB8] =	sst s10  }
0x32: {  	s10 =	sld [smem:$0x3FB6];
	_ =	sdelay $0x3  }
0x33: {  	p0 =	seq.s32 s10, $0x1;
	s10 =	sld [smem:$0x3FB8];
	_ =	sdelay $0x3  }
0x34: {  	[smem:$0x3FB8] =	sst s10  }
0x35: {  	s10 =	sld [smem:$0x3FB7];
	_ =	sdelay $0x3  }
0x36: {  	p1 =	seq.s32 s10, $0x1;
	s10 =	sld [smem:$0x3FB8];
	_ =	sdelay $0x3  }
0x37: {  	[smem:$0x3FB8] =	sst s10  }
0x38: {  	s10 =	sld [smem:$0x3FB9]  }
0x39: {  	_ = 	snop;
	(pc) =	sbr.ind lr, $3  }
0x3a: {  	_ = 	snop  }
0x3b: {  	_ = 	snop  }
0x3c: {  	p2 =	seq.s32 s10, $0x1;
	s10 =	sld [smem:$0x3FB8]  }
0x3d: {  	_ =	shalt  }
0x3e: {  	_ =	shalt  }
0x3f: {  	_ =	shalt  }
0x40: {  	_ =	shalt  }
0x41: {  	_ =	shalt  }
0x42: {  	_ =	shalt  }
0x43: {  	_ =	shalt  }
0x44: {  	_ =	shalt  }
0x45: {  	_ =	shalt  }
0x46: {  	_ =	shalt  }
0x47: {  	_ =	shalt  }
0x48: {  	_ =	shalt  }
0x49: {  	_ =	shalt  }
0x4a: {  	_ =	shalt  }
0x4b: {  	_ =	shalt  }
0x4c: {  	_ =	shalt  }
0x4d: {  	_ =	shalt  }
0x4e: {  	_ =	shalt  }
0x4f: {  	_ =	shalt  }
0x50: {  	_ =	shalt  }
0x51: {  	_ =	shalt  }
0x52: {  	_ =	shalt  }
0x53: {  	_ =	shalt  }
0x54: {  	_ =	shalt  }
0x55: {  	_ =	shalt  }
0x56: {  	_ =	shalt  }
0x57: {  	_ =	shalt  }
0x58: {  	_ =	shalt  }
0x59: {  	_ =	shalt  }
0x5a: {  	_ =	shalt  }
0x5b: {  	_ =	shalt  }
0x5c: {  	_ =	shalt  }
0x5d: {  	_ =	shalt  }
0x5e: {  	_ =	shalt  }
0x5f: {  	_ =	shalt  }
0x60: {  	_ =	shalt  }
0x61: {  	_ =	shalt  }
0x62: {  	_ =	shalt  }
0x63: {  	_ =	shalt  }
0x64: {  	_ =	shalt  }
0x65: {  	_ =	shalt  }
0x66: {  	_ =	shalt  }
0x67: {  	_ =	shalt  }
0x68: {  	_ =	shalt  }
0x69: {  	_ =	shalt  }
0x6a: {  	_ =	shalt  }
0x6b: {  	_ =	shalt  }
0x6c: {  	_ =	shalt  }
0x6d: {  	_ =	shalt  }
0x6e: {  	_ =	shalt  }
0x6f: {  	_ =	shalt  }
0x70: {  	_ =	shalt  }
0x71: {  	_ =	shalt  }
0x72: {  	_ =	shalt  }
0x73: {  	_ =	shalt  }
0x74: {  	_ =	shalt  }
0x75: {  	_ =	shalt  }
0x76: {  	_ =	shalt  }
0x77: {  	_ =	shalt  }
0x78: {  	_ =	shalt  }
0x79: {  	_ =	shalt  }
0x7a: {  	_ =	shalt  }
0x7b: {  	_ =	shalt  }
0x7c: {  	_ =	shalt  }
0x7d: {  	_ =	shalt  }
0x7e: {  	_ =	shalt  }
0x7f: {  	_ =	shalt  }
0x80: {  	_ =	shalt  }
0x81: {  	_ =	shalt  }
0x82: {  	_ =	shalt  }
0x83: {  	_ =	shalt  }
0x84: {  	_ =	shalt  }
0x85: {  	_ =	shalt  }
0x86: {  	_ =	shalt  }
0x87: {  	_ =	shalt  }
.Lfunc_end0:
.L_simem_size_0:
called_computation_lowered:
.L_overlay_start_0:
0x88: {  	s2 =	sld [smem:$0x3FD9]  }
0x89: {  	s3 =	sld [smem:$0x3FFE];
	_ =	sdelay $0x1  }
0x8a: {  	s1 =	srdreg.scid  }
0x8b: {  	s0 =	sand.u32 $0x1, s1  }
0x8c: {  	s17 =	sshll.u32 s0, $0xA;
	s2 =	sadd.s32 s3, s2  }
0x8d: {  	s2 =	sadd.s32 s2, s17  }
0x8e: {  	[smem:$0x3FC4] =	sst s2  }
0x8f: {  	_ = 	snop  }
0x90: {  	s2 =	sld [smem:$0x3FD0];
	(tm) =	ssettm $0x1  }
0x91: {  	s18 =	sld [smem:$0x3FFB];
	_ =	sdelay $0x3  }
0x92: {  	_ =	strace s18  }
0x93: {  	s3 =	sld [smem:$0x3FFC];
	_ =	sdelay $0x3  }
0x94: {  	_ =	strace s3  }
0x95: {  	s3 =	sld [smem:$0x3FFD];
	_ =	sdelay $0x3  }
0x96: {  	_ =	strace s3  }
0x97: {  	_ =	strace $0x8FFFFFFF  }
0x98: {  	s19 =	sld [smem:$0x3FDB];
	_ =	sdelay $0x1  }
0x99: {  	s4 =	simm.s32 $_scs_section_size  }
0x9a: {  	s5 =	simm.s32 $_size__tile_overlayer_lowered;
	s6 =	simm.s32 $_tile_overlayer_lowered  }
0x9b: {  	s22 =	simm.s32 $0x1BFF;
	s21 =	sshll.u32 s6, $0x1;
	s3 =	sadd.s32 s4, s19  }
0x9c: {  	s7 =	simm.s32 $0x0;
	s20 =	sshll.u32 s5, $0x1;
	s5 =	sadd.s32 s21, s3  }
0x9d: {  	[timem:s7], [sflag:s22] =	dma.local [hbm:s5], s20  }
0x9e: {  	_ =	swait.ge [sflag:s22], s20  }
0x9f: {  	s4 =	ssub.s32 $0x0, s20;
	[sflag:s22] =	ssyncset.done $0x0  }
0xa0: {  	[sflag:s22] =	ssyncadd.s32 s4;
	_ =	sdelay $0x1  }
0xa1: {  	s23 =	simm.s32 $0x1B8B  }
0xa2: {  	_ =	swait.ge [sflag:s23], $0x1  }
0xa3: {  	[sflag:s23] =	ssyncset.done $0x0  }
0xa4: {  	s25 =	simm.s32 $0x1B8E;
	s24 =	sld [smem:$0x3FFE];
	[sflag:s23] =	ssyncadd.s32 $0xFFFFFFFF  }
0xa5: {  	s26 =	simm.s32 $execute0_lowered;
	[smem:$0x3FD2] =	sst s25  }
0xa6: {  	s5 =	sshll.u32 s26, $0x1;
	_ =	strace $0x80000046;
	[dreg:$0x1] =	wrdreg $0xFFFFFFFF  }
0xa7: {  	s28 =	simm.s32 $_size_execute0_lowered;
	s3 =	sadd.s32 s3, s5;
	[dreg:$0x0] =	wrdreg $0x0  }
0xa8: {  	s5 =	sshll.u32 s28, $0x1;
	[dreg:$0x2] =	wrdreg s3  }
0xa9: {  	[dreg:$0x3] =	wrdreg s5  }
0xaa: {  	[dreg:$0x4] =	wrdreg $0xC0  }
0xab: {  	_ =	task [dreg:s7], $0x5FFFF  }
0xac: {  	[dreg:$0x1] =	wrdreg $0xFFFFFFFF  }
0xad: {  	[dreg:$0x0] =	wrdreg $0x60  }
0xae: {  	[dreg:$0x2] =	wrdreg s24  }
0xaf: {  	[dreg:$0x3] =	wrdreg s2  }
0xb0: {  	[dreg:$0x4] =	wrdreg $0x9  }
0xb1: {  	_ =	task.clear_ibuf [dreg:s7], $0x5FFFF;
	_ =	strace $0x90000046  }
0xb2: {  	s29 =	simm.s32 $0x9;
	_ =	strace $0x80000048  }
0xb3: {  	_ =	swait.ge [sflag:s29], $0x1  }
0xb4: {  	[sflag:s29] =	ssyncadd.s32 $0xFFFFFFFF  }
0xb5: {  	_ =	strace $0x90000048  }
0xb6: {  	_ =	sfence  }
0xb7: {  	s30 =	sld [smem:$0x0];
	_ =	sdelay $0x2  }
0xb8: {  	s31 =	sshll.u32 s1, $0xD;
	s1 =	sshrl.u32 s1, $0x2  }
0xb9: {  	s3 =	sand.u32 $0x4000, s31;
	s1 =	sadd.s32 s1, s30  }
0xba: {  	s0 =	sor.u32 s3, s0;
	s1 =	sshll.u32 s1, $0x11  }
0xbb: {  	s0 =	sor.u32 s1, s0  }
0xbc: {  	s0 =	sadd.s32 $0x8F2B, s0  }
0xbd: {  	[sflag:s0] =	ssyncadd.remote.s32 $0x1  }
0xbe: {  	_ =	sfence.sel $0xFFFF  }
0xbf: {  	[dreg:$0x0] =	wrdreg $0xFFFFFFFF;
	(pc) =	sbr.abs _section_cstart, $3  }
0xc0: {  	[dreg:$0x1] =	wrdreg $0xFFFFFFFF  }
0xc1: {  	_ =	task.clear_ibuf [dreg:s7], $0x2FFFF;
	_ =	strace $0x9FFFFFFF  }
0xc2: {  	(tm) =	ssettm $0x7FFFFFFF  }
0xc3: {  	_ =	shalt  }
tec
execute0_lowered:
.L_overlay_start_1:
0x0: {  	(tag) =	ssettag $0x1  }
0x1: {  	s5 =	rddreg [dreg:$0x0]  }
0x2: {  	s6 =	rddreg [dreg:$0x1]  }
0x3: {  	s0 =	rddreg [dreg:$0x2]  }
0x4: {  	s3 =	srdreg.scid;
	s1 =	stileid.u32;
	s2 =	simm.s32 $0x0  }
0x5: {  	s10 =	simm.s32 $0x1;
	s11 =	simm.s32 $0x2;
	s12 =	simm.s32 $0x3  }
0x6: {  	s13 =	simm.s32 $0x1EC80;
	s14 =	simm.s32 $0x4;
	s15 =	simm.s32 $0x0  }
0x7: {  	v0 =	vlaneseq.u32;
	s7 =	sand.u32 $0x1, s3;
	s30 =	sshll.u32 s1, $0x1;
	[smem:$0x7FF] =	sst s2  }
0x8: {  	s3 =	sadd.s32 $0xC00, s5;
	v0 =	vmul.u32 $0xC8, v0;
	s8 =	sor.u32 s7, s30;
	s7 =	ssub.s32 $0x2, s7  }
0x9: {  	s4 =	sadd.s32 $0x3E00, s5;
	s9 =	smul.u32 $0xC80, s8;
	s31 =	sshrl.u32 s7, $0x1  }
0xa: {  	_ =	strace $0x80000047;
	s8 =	sshll.u32 s8, $0x4;
	v1 =	vadd.s32 $0xC80, v0;
	s7 =	ssub.s32 s7, s31  }
0xb: {  	v2 =	vadd.s32 $0x1900, v0;
	v3 =	vadd.s32 $0x2580, v0;
	v4 =	vadd.s32 $0x3200, v0;
	s6 =	sadd.s32 s6, s8;
	s8 =	simm.s32 $0x18880;
	s5 =	sadd.s32 s9, s5  }
0xc: {  	v5 =	vadd.s32 $0x3E80, v0;
	v6 =	vadd.s32 $0x4B00, v0;
	v7 =	vadd.s32 $0x5780, v0;
	s7 =	smax.u32 s7, $0x1;
	s9 =	simm.s32 $0x18800;
	s5 =	sadd.s32 $0x187600, s5  }
.LBB2_1:
0xd: {  	[tilespmem:s8], [sflag:$0x1] =	stream.linear.gather [hbm4b:s5+s2], $0x6400, $0x38;
	[tilespmem:$0x1ED00] =	vst v63  }
0xe: {  	_ = 	snop  }
0xf: {  	[tilespmem:s2], [sflag:$0x2] =	stream.linear.gather [hbm4b:s3+s2], $0x18800, $0x38;
	[tilespmem:$0x1ED00] =	vst v63  }
0x10: {  	_ = 	snop  }
0x11: {  	[tilespmem:s9], [sflag:$0x3] =	stream.linear.gather [hbm4b:s4+s2], $0x80, $0x38;
	[tilespmem:$0x1ED00] =	vst v63  }
0x12: {  	_ =	swait.ge [sflag:s10], $0x6400  }
0x13: {  	[sflag:s10] =	ssyncset.done $0x0  }
0x14: {  	[sflag:s10] =	ssyncadd.s32 $0xFFFF9C00  }
0x15: {  	_ =	swait.ge [sflag:s11], $0x18800  }
0x16: {  	v8 =	vadd.s32 s2, v0;
	[sflag:s11] =	ssyncset.done $0x0  }
0x17: {  	[sflag:s11] =	ssyncadd.s32 $0xFFFE7800  }
0x18: {  	_ =	swait.ge [sflag:s12], $0x80  }
0x19: {  	[sflag:s12] =	ssyncset.done $0x0  }
0x1a: {  	[sflag:s12] =	ssyncadd.s32 $0xFFFFFF80  }
0x1b: {  	v8 =	vld.idx.msk [tilespmem:v8+s8+$0x0], $0xffff;
	_ =	sdelay $0x2  }
0x1c: {  	s16 =	simm.s32 $0x1  }
0x1d: {  	v9 =	vadd.s32 s16, v0;
	_ =	sdelay $0x1  }
0x1e: {  	vm0 =	vlt.s32 v8, $0x3F  }
0x1f: {  	v12 =	vnsel vm0, $0x3F, v8  }
0x20: {  	v10 =	vld.idx.msk [tilespmem:v8+s2+$0x0], $0xffff  }
0x21: {  	v8 =	vld.idx.msk [tilespmem:v9+s8+$0x0], $0xffff;
	_ =	sdelay $0x1  }
0x22: {  	s31 =	simm.s32 $0x2  }
0x23: {  	v11 =	vimm.s32 $0x0;
	v13 =	vadd.s32 s31, v0;
	s16 =	simm.s32 $0x3;
	v9 =	vimm.f32 $0.0e+00;
	v12 =	vld.idx.msk [tilespmem:v12+s9+$0x0], $0xffff  }
.LBB2_2:
0x24: {  	p0 =	sne.s32 s16, $0xC7;
	v9 =	vadd.f32 v10, v9  }
0x25: {  	vm0 =	vlt.s32 v8, $0x3F  }
0x26: {  	v14 =	vnsel vm0, $0x3F, v8  }
0x27: {  	v10 =	vld.idx.msk [tilespmem:v8+s2+$0x0], $0xffff  }
.Ltmp0:
0x28: {  	v11 =	vor.u32 v11, v12;
	v8 =	vld.idx.msk [tilespmem:v13+s8+$0x0], $0xffff;
	(pc) =	sbr.rel @p0 .LBB2_2-.Ltmp0, $3  }
0x29: {  	_ =	sdelay $0x1  }
0x2a: {  	v12 =	vld.idx.msk [tilespmem:v14+s9+$0x0], $0xffff  }
0x2b: {  	v13 =	vadd.s32 s16, v0;
	s16 =	sadd.s32 $0x1, s16  }
0x2c: {  	_ =	sdelay $0x3  }
0x2d: {  	v13 =	vld.idx.msk [tilespmem:v13+s8+$0x0], $0xffff;
	_ =	sdelay $0x3  }
0x2e: {  	vm0 =	vlt.s32 v8, $0x3F  }
0x2f: {  	v14 =	vnsel vm0, $0x3F, v8;
	vm14 =	vlt.s32 v13, $0x3F  }
0x30: {  	v15 =	vnsel vm14, $0x3F, v13;
	_ =	sdelay $0x3  }
0x31: {  	v14 =	vld.idx.msk [tilespmem:v14+s9+$0x0], $0xffff  }
0x32: {  	v15 =	vld.idx.msk [tilespmem:v15+s9+$0x0], $0xffff;
	_ =	sdelay $0x2  }
0x33: {  	v11 =	vor.u32 v11, v12  }
0x34: {  	v11 =	vor.u32 v11, v14  }
0x35: {  	v11 =	vor.u32 v11, v15  }
0x36: {  	v9 =	vadd.f32 v10, v9;
	v10 =	vshrl.u32 v11, $0x1  }
0x37: {  	v12 =	vand.u32 $0x1, v11;
	v14 =	vshrl.u32 v11, $0x2;
	v10 =	vand.u32 $0x1, v10  }
0x38: {  	v10 =	vadd.s32 v12, v10;
	v12 =	vand.u32 $0x1, v14;
	v14 =	vshrl.u32 v11, $0x3  }
0x39: {  	v10 =	vadd.s32 v12, v10;
	v12 =	vand.u32 $0x1, v14;
	v14 =	vshrl.u32 v11, $0x4  }
0x3a: {  	v8 =	vld.idx.msk [tilespmem:v8+s2+$0x0], $0xffff;
	v10 =	vadd.s32 v12, v10;
	v12 =	vand.u32 $0x1, v14;
	v14 =	vshrl.u32 v11, $0x5  }
0x3b: {  	v10 =	vadd.s32 v12, v10;
	v12 =	vand.u32 $0x1, v14;
	v14 =	vshll.u32 v11, $0x19  }
0x3c: {  	v13 =	vld.idx.msk [tilespmem:v13+s2+$0x0], $0xffff;
	v10 =	vadd.s32 v12, v10;
	v12 =	vshra.s32 v14, $0x1F;
	v14 =	vshll.u32 v11, $0x18  }
0x3d: {  	v10 =	vadd.s32 v12, v10;
	v12 =	vshra.s32 v14, $0x1F;
	v14 =	vshll.u32 v11, $0x17  }
0x3e: {  	v11 =	vshll.u32 v11, $0x16;
	v10 =	vadd.s32 v12, v10;
	v12 =	vshra.s32 v14, $0x1F  }
0x3f: {  	v8 =	vadd.f32 v8, v9;
	v9 =	vadd.s32 v12, v10;
	v10 =	vshra.s32 v11, $0x1F  }
0x40: {  	v9 =	vadd.s32 v10, v9  }
0x41: {  	v8 =	vadd.f32 v13, v8;
	v9 =	vcvt.s32.f32 v9  }
0x42: {  	s16 =	simm.s32 $0x0  }
0x43: {  	v8 =	vmul.f32 $4.999999890e-03, v8;
	v10 =	vadd.s32 s16, v1;
	v9 =	vmul.f32 $5.000000000e-01, v9;
	_ =	sdelay $0x1  }
0x44: {  	v8 =	vadd.f32 v9, v8;
	_ =	sdelay $0x1  }
0x45: {  	[tilespmem:$0x1EC80] =	vst v8  }
0x46: {  	v8 =	vld.idx.msk [tilespmem:v10+s8+$0x0], $0xffff;
	_ =	sdelay $0x2  }
0x47: {  	s30 =	simm.s32 $0x1  }
0x48: {  	v9 =	vadd.s32 s30, v1;
	_ =	sdelay $0x1  }
0x49: {  	vm15 =	vlt.s32 v8, $0x3F  }
0x4a: {  	v12 =	vnsel vm15, $0x3F, v8  }
0x4b: {  	v10 =	vld.idx.msk [tilespmem:v8+s2+$0x0], $0xffff  }
0x4c: {  	v8 =	vld.idx.msk [tilespmem:v9+s8+$0x0], $0xffff;
	_ =	sdelay $0x1  }
0x4d: {  	s31 =	simm.s32 $0x2  }
0x4e: {  	v13 =	vadd.s32 s31, v1;
	v11 =	vimm.s32 $0x0;
	s16 =	simm.s32 $0x3;
	v9 =	vimm.f32 $0.0e+00;
	v12 =	vld.idx.msk [tilespmem:v12+s9+$0x0], $0xffff  }
.LBB2_4:
0x4f: {  	p0 =	sne.s32 s16, $0xC7;
	v9 =	vadd.f32 v10, v9  }
0x50: {  	vm0 =	vlt.s32 v8, $0x3F  }
0x51: {  	v14 =	vnsel vm0, $0x3F, v8  }
0x52: {  	v10 =	vld.idx.msk [tilespmem:v8+s2+$0x0], $0xffff  }
.Ltmp1:
0x53: {  	v11 =	vor.u32 v11, v12;
	v8 =	vld.idx.msk [tilespmem:v13+s8+$0x0], $0xffff;
	(pc) =	sbr.rel @p0 .LBB2_4-.Ltmp1, $3  }
0x54: {  	_ =	sdelay $0x1  }
0x55: {  	v12 =	vld.idx.msk [tilespmem:v14+s9+$0x0], $0xffff  }
0x56: {  	v13 =	vadd.s32 s16, v1;
	s16 =	sadd.s32 $0x1, s16  }
0x57: {  	_ =	sdelay $0x3  }
0x58: {  	v13 =	vld.idx.msk [tilespmem:v13+s8+$0x0], $0xffff;
	_ =	sdelay $0x3  }
0x59: {  	vm0 =	vlt.s32 v8, $0x3F  }
0x5a: {  	v14 =	vnsel vm0, $0x3F, v8;
	vm14 =	vlt.s32 v13, $0x3F  }
0x5b: {  	v15 =	vnsel vm14, $0x3F, v13;
	_ =	sdelay $0x3  }
0x5c: {  	v14 =	vld.idx.msk [tilespmem:v14+s9+$0x0], $0xffff  }
0x5d: {  	v15 =	vld.idx.msk [tilespmem:v15+s9+$0x0], $0xffff;
	_ =	sdelay $0x2  }
0x5e: {  	v11 =	vor.u32 v11, v12  }
0x5f: {  	v11 =	vor.u32 v11, v14  }
0x60: {  	v11 =	vor.u32 v11, v15  }
0x61: {  	v9 =	vadd.f32 v10, v9;
	v10 =	vshrl.u32 v11, $0x1  }
0x62: {  	v12 =	vand.u32 $0x1, v11;
	v14 =	vshrl.u32 v11, $0x2;
	v10 =	vand.u32 $0x1, v10  }
0x63: {  	v10 =	vadd.s32 v12, v10;
	v12 =	vand.u32 $0x1, v14;
	v14 =	vshrl.u32 v11, $0x3  }
0x64: {  	v10 =	vadd.s32 v12, v10;
	v12 =	vand.u32 $0x1, v14;
	v14 =	vshrl.u32 v11, $0x4  }
0x65: {  	v8 =	vld.idx.msk [tilespmem:v8+s2+$0x0], $0xffff;
	v10 =	vadd.s32 v12, v10;
	v12 =	vand.u32 $0x1, v14;
	v14 =	vshrl.u32 v11, $0x5  }
0x66: {  	v10 =	vadd.s32 v12, v10;
	v12 =	vand.u32 $0x1, v14;
	v14 =	vshll.u32 v11, $0x19  }
0x67: {  	v13 =	vld.idx.msk [tilespmem:v13+s2+$0x0], $0xffff;
	v10 =	vadd.s32 v12, v10;
	v12 =	vshra.s32 v14, $0x1F;
	v14 =	vshll.u32 v11, $0x18  }
0x68: {  	v10 =	vadd.s32 v12, v10;
	v12 =	vshra.s32 v14, $0x1F;
	v14 =	vshll.u32 v11, $0x17  }
0x69: {  	v11 =	vshll.u32 v11, $0x16;
	v10 =	vadd.s32 v12, v10;
	v12 =	vshra.s32 v14, $0x1F  }
0x6a: {  	v8 =	vadd.f32 v8, v9;
	v9 =	vadd.s32 v12, v10;
	v10 =	vshra.s32 v11, $0x1F  }
0x6b: {  	v9 =	vadd.s32 v10, v9  }
0x6c: {  	v8 =	vadd.f32 v13, v8;
	v9 =	vcvt.s32.f32 v9  }
0x6d: {  	s16 =	simm.s32 $0x0  }
0x6e: {  	v8 =	vmul.f32 $4.999999890e-03, v8;
	v10 =	vadd.s32 s16, v2;
	v9 =	vmul.f32 $5.000000000e-01, v9;
	_ =	sdelay $0x1  }
0x6f: {  	v8 =	vadd.f32 v9, v8;
	_ =	sdelay $0x1  }
0x70: {  	[tilespmem:$0x1EC90] =	vst v8  }
0x71: {  	v8 =	vld.idx.msk [tilespmem:v10+s8+$0x0], $0xffff;
	_ =	sdelay $0x2  }
0x72: {  	s30 =	simm.s32 $0x1  }
0x73: {  	v9 =	vadd.s32 s30, v2;
	_ =	sdelay $0x1  }
0x74: {  	vm15 =	vlt.s32 v8, $0x3F  }
0x75: {  	v12 =	vnsel vm15, $0x3F, v8  }
0x76: {  	v10 =	vld.idx.msk [tilespmem:v8+s2+$0x0], $0xffff  }
0x77: {  	v8 =	vld.idx.msk [tilespmem:v9+s8+$0x0], $0xffff;
	_ =	sdelay $0x1  }
0x78: {  	s31 =	simm.s32 $0x2  }
0x79: {  	v13 =	vadd.s32 s31, v2;
	v11 =	vimm.s32 $0x0;
	s16 =	simm.s32 $0x3;
	v9 =	vimm.f32 $0.0e+00;
	v12 =	vld.idx.msk [tilespmem:v12+s9+$0x0], $0xffff  }
.LBB2_6:
0x7a: {  	p0 =	sne.s32 s16, $0xC7;
	v9 =	vadd.f32 v10, v9  }
0x7b: {  	vm0 =	vlt.s32 v8, $0x3F  }
0x7c: {  	v14 =	vnsel vm0, $0x3F, v8  }
0x7d: {  	v10 =	vld.idx.msk [tilespmem:v8+s2+$0x0], $0xffff  }
.Ltmp2:
0x7e: {  	v11 =	vor.u32 v11, v12;
	v8 =	vld.idx.msk [tilespmem:v13+s8+$0x0], $0xffff;
	(pc) =	sbr.rel @p0 .LBB2_6-.Ltmp2, $3  }
0x7f: {  	_ =	sdelay $0x1  }
0x80: {  	v12 =	vld.idx.msk [tilespmem:v14+s9+$0x0], $0xffff  }
0x81: {  	v13 =	vadd.s32 s16, v2;
	s16 =	sadd.s32 $0x1, s16  }
0x82: {  	_ =	sdelay $0x3  }
0x83: {  	v13 =	vld.idx.msk [tilespmem:v13+s8+$0x0], $0xffff;
	_ =	sdelay $0x3  }
0x84: {  	vm0 =	vlt.s32 v8, $0x3F  }
0x85: {  	v14 =	vnsel vm0, $0x3F, v8;
	vm14 =	vlt.s32 v13, $0x3F  }
0x86: {  	v15 =	vnsel vm14, $0x3F, v13;
	_ =	sdelay $0x3  }
0x87: {  	v14 =	vld.idx.msk [tilespmem:v14+s9+$0x0], $0xffff  }
0x88: {  	v15 =	vld.idx.msk [tilespmem:v15+s9+$0x0], $0xffff;
	_ =	sdelay $0x2  }
0x89: {  	v11 =	vor.u32 v11, v12  }
0x8a: {  	v11 =	vor.u32 v11, v14  }
0x8b: {  	v11 =	vor.u32 v11, v15  }
0x8c: {  	v9 =	vadd.f32 v10, v9;
	v10 =	vshrl.u32 v11, $0x1  }
0x8d: {  	v12 =	vand.u32 $0x1, v11;
	v14 =	vshrl.u32 v11, $0x2;
	v10 =	vand.u32 $0x1, v10  }
0x8e: {  	v10 =	vadd.s32 v12, v10;
	v12 =	vand.u32 $0x1, v14;
	v14 =	vshrl.u32 v11, $0x3  }
0x8f: {  	v10 =	vadd.s32 v12, v10;
	v12 =	vand.u32 $0x1, v14;
	v14 =	vshrl.u32 v11, $0x4  }
0x90: {  	v8 =	vld.idx.msk [tilespmem:v8+s2+$0x0], $0xffff;
	v10 =	vadd.s32 v12, v10;
	v12 =	vand.u32 $0x1, v14;
	v14 =	vshrl.u32 v11, $0x5  }
0x91: {  	v10 =	vadd.s32 v12, v10;
	v12 =	vand.u32 $0x1, v14;
	v14 =	vshll.u32 v11, $0x19  }
0x92: {  	v13 =	vld.idx.msk [tilespmem:v13+s2+$0x0], $0xffff;
	v10 =	vadd.s32 v12, v10;
	v12 =	vshra.s32 v14, $0x1F;
	v14 =	vshll.u32 v11, $0x18  }
0x93: {  	v10 =	vadd.s32 v12, v10;
	v12 =	vshra.s32 v14, $0x1F;
	v14 =	vshll.u32 v11, $0x17  }
0x94: {  	v11 =	vshll.u32 v11, $0x16;
	v10 =	vadd.s32 v12, v10;
	v12 =	vshra.s32 v14, $0x1F  }
0x95: {  	v8 =	vadd.f32 v8, v9;
	v9 =	vadd.s32 v12, v10;
	v10 =	vshra.s32 v11, $0x1F  }
0x96: {  	v9 =	vadd.s32 v10, v9  }
0x97: {  	v8 =	vadd.f32 v13, v8;
	v9 =	vcvt.s32.f32 v9  }
0x98: {  	s16 =	simm.s32 $0x0  }
0x99: {  	v8 =	vmul.f32 $4.999999890e-03, v8;
	v10 =	vadd.s32 s16, v3;
	v9 =	vmul.f32 $5.000000000e-01, v9;
	_ =	sdelay $0x1  }
0x9a: {  	v8 =	vadd.f32 v9, v8;
	_ =	sdelay $0x1  }
0x9b: {  	[tilespmem:$0x1ECA0] =	vst v8  }
0x9c: {  	v8 =	vld.idx.msk [tilespmem:v10+s8+$0x0], $0xffff;
	_ =	sdelay $0x2  }
0x9d: {  	s30 =	simm.s32 $0x1  }
0x9e: {  	v9 =	vadd.s32 s30, v3;
	_ =	sdelay $0x1  }
0x9f: {  	vm15 =	vlt.s32 v8, $0x3F  }
0xa0: {  	v12 =	vnsel vm15, $0x3F, v8  }
0xa1: {  	v10 =	vld.idx.msk [tilespmem:v8+s2+$0x0], $0xffff  }
0xa2: {  	v8 =	vld.idx.msk [tilespmem:v9+s8+$0x0], $0xffff;
	_ =	sdelay $0x1  }
0xa3: {  	s31 =	simm.s32 $0x2  }
0xa4: {  	v13 =	vadd.s32 s31, v3;
	v11 =	vimm.s32 $0x0;
	s16 =	simm.s32 $0x3;
	v9 =	vimm.f32 $0.0e+00;
	v12 =	vld.idx.msk [tilespmem:v12+s9+$0x0], $0xffff  }
.LBB2_8:
0xa5: {  	p0 =	sne.s32 s16, $0xC7;
	v9 =	vadd.f32 v10, v9  }
0xa6: {  	vm0 =	vlt.s32 v8, $0x3F  }
0xa7: {  	v14 =	vnsel vm0, $0x3F, v8  }
0xa8: {  	v10 =	vld.idx.msk [tilespmem:v8+s2+$0x0], $0xffff  }
.Ltmp3:
0xa9: {  	v11 =	vor.u32 v11, v12;
	v8 =	vld.idx.msk [tilespmem:v13+s8+$0x0], $0xffff;
	(pc) =	sbr.rel @p0 .LBB2_8-.Ltmp3, $3  }
0xaa: {  	_ =	sdelay $0x1  }
0xab: {  	v12 =	vld.idx.msk [tilespmem:v14+s9+$0x0], $0xffff  }
0xac: {  	v13 =	vadd.s32 s16, v3;
	s16 =	sadd.s32 $0x1, s16  }
0xad: {  	_ =	sdelay $0x3  }
0xae: {  	v13 =	vld.idx.msk [tilespmem:v13+s8+$0x0], $0xffff;
	_ =	sdelay $0x3  }
0xaf: {  	vm0 =	vlt.s32 v8, $0x3F  }
0xb0: {  	v14 =	vnsel vm0, $0x3F, v8;
	vm14 =	vlt.s32 v13, $0x3F  }
0xb1: {  	v15 =	vnsel vm14, $0x3F, v13;
	_ =	sdelay $0x3  }
0xb2: {  	v14 =	vld.idx.msk [tilespmem:v14+s9+$0x0], $0xffff  }
0xb3: {  	v15 =	vld.idx.msk [tilespmem:v15+s9+$0x0], $0xffff;
	_ =	sdelay $0x2  }
0xb4: {  	v11 =	vor.u32 v11, v12  }
0xb5: {  	v11 =	vor.u32 v11, v14  }
0xb6: {  	v11 =	vor.u32 v11, v15  }
0xb7: {  	v9 =	vadd.f32 v10, v9;
	v10 =	vshrl.u32 v11, $0x1  }
0xb8: {  	v12 =	vand.u32 $0x1, v11;
	v14 =	vshrl.u32 v11, $0x2;
	v10 =	vand.u32 $0x1, v10  }
0xb9: {  	v10 =	vadd.s32 v12, v10;
	v12 =	vand.u32 $0x1, v14;
	v14 =	vshrl.u32 v11, $0x3  }
0xba: {  	v10 =	vadd.s32 v12, v10;
	v12 =	vand.u32 $0x1, v14;
	v14 =	vshrl.u32 v11, $0x4  }
0xbb: {  	v8 =	vld.idx.msk [tilespmem:v8+s2+$0x0], $0xffff;
	v10 =	vadd.s32 v12, v10;
	v12 =	vand.u32 $0x1, v14;
	v14 =	vshrl.u32 v11, $0x5  }
0xbc: {  	v10 =	vadd.s32 v12, v10;
	v12 =	vand.u32 $0x1, v14;
	v14 =	vshll.u32 v11, $0x19  }
0xbd: {  	v13 =	vld.idx.msk [tilespmem:v13+s2+$0x0], $0xffff;
	v10 =	vadd.s32 v12, v10;
	v12 =	vshra.s32 v14, $0x1F;
	v14 =	vshll.u32 v11, $0x18  }
0xbe: {  	v10 =	vadd.s32 v12, v10;
	v12 =	vshra.s32 v14, $0x1F;
	v14 =	vshll.u32 v11, $0x17  }
0xbf: {  	v11 =	vshll.u32 v11, $0x16;
	v10 =	vadd.s32 v12, v10;
	v12 =	vshra.s32 v14, $0x1F  }
0xc0: {  	v8 =	vadd.f32 v8, v9;
	v9 =	vadd.s32 v12, v10;
	v10 =	vshra.s32 v11, $0x1F  }
0xc1: {  	v9 =	vadd.s32 v10, v9  }
0xc2: {  	v8 =	vadd.f32 v13, v8;
	v9 =	vcvt.s32.f32 v9  }
0xc3: {  	s16 =	simm.s32 $0x0  }
0xc4: {  	v8 =	vmul.f32 $4.999999890e-03, v8;
	v10 =	vadd.s32 s16, v4;
	v9 =	vmul.f32 $5.000000000e-01, v9;
	_ =	sdelay $0x1  }
0xc5: {  	v8 =	vadd.f32 v9, v8;
	_ =	sdelay $0x1  }
0xc6: {  	[tilespmem:$0x1ECB0] =	vst v8  }
0xc7: {  	v8 =	vld.idx.msk [tilespmem:v10+s8+$0x0], $0xffff;
	_ =	sdelay $0x2  }
0xc8: {  	s30 =	simm.s32 $0x1  }
0xc9: {  	v9 =	vadd.s32 s30, v4;
	_ =	sdelay $0x1  }
0xca: {  	vm15 =	vlt.s32 v8, $0x3F  }
0xcb: {  	v12 =	vnsel vm15, $0x3F, v8  }
0xcc: {  	v10 =	vld.idx.msk [tilespmem:v8+s2+$0x0], $0xffff  }
0xcd: {  	v8 =	vld.idx.msk [tilespmem:v9+s8+$0x0], $0xffff;
	_ =	sdelay $0x1  }
0xce: {  	s31 =	simm.s32 $0x2  }
0xcf: {  	v13 =	vadd.s32 s31, v4;
	v11 =	vimm.s32 $0x0;
	s16 =	simm.s32 $0x3;
	v9 =	vimm.f32 $0.0e+00;
	v12 =	vld.idx.msk [tilespmem:v12+s9+$0x0], $0xffff  }
.LBB2_10:
0xd0: {  	p0 =	sne.s32 s16, $0xC7;
	v9 =	vadd.f32 v10, v9  }
0xd1: {  	vm0 =	vlt.s32 v8, $0x3F  }
0xd2: {  	v14 =	vnsel vm0, $0x3F, v8  }
0xd3: {  	v10 =	vld.idx.msk [tilespmem:v8+s2+$0x0], $0xffff  }
.Ltmp4:
0xd4: {  	v11 =	vor.u32 v11, v12;
	v8 =	vld.idx.msk [tilespmem:v13+s8+$0x0], $0xffff;
	(pc) =	sbr.rel @p0 .LBB2_10-.Ltmp4, $3  }
0xd5: {  	_ =	sdelay $0x1  }
0xd6: {  	v12 =	vld.idx.msk [tilespmem:v14+s9+$0x0], $0xffff  }
0xd7: {  	v13 =	vadd.s32 s16, v4;
	s16 =	sadd.s32 $0x1, s16  }
0xd8: {  	_ =	sdelay $0x3  }
0xd9: {  	v13 =	vld.idx.msk [tilespmem:v13+s8+$0x0], $0xffff;
	_ =	sdelay $0x3  }
0xda: {  	vm0 =	vlt.s32 v8, $0x3F  }
0xdb: {  	v14 =	vnsel vm0, $0x3F, v8;
	vm14 =	vlt.s32 v13, $0x3F  }
0xdc: {  	v15 =	vnsel vm14, $0x3F, v13;
	_ =	sdelay $0x3  }
0xdd: {  	v14 =	vld.idx.msk [tilespmem:v14+s9+$0x0], $0xffff  }
0xde: {  	v15 =	vld.idx.msk [tilespmem:v15+s9+$0x0], $0xffff;
	_ =	sdelay $0x2  }
0xdf: {  	v11 =	vor.u32 v11, v12  }
0xe0: {  	v11 =	vor.u32 v11, v14  }
0xe1: {  	v11 =	vor.u32 v11, v15  }
0xe2: {  	v9 =	vadd.f32 v10, v9;
	v10 =	vshrl.u32 v11, $0x1  }
0xe3: {  	v12 =	vand.u32 $0x1, v11;
	v14 =	vshrl.u32 v11, $0x2;
	v10 =	vand.u32 $0x1, v10  }
0xe4: {  	v10 =	vadd.s32 v12, v10;
	v12 =	vand.u32 $0x1, v14;
	v14 =	vshrl.u32 v11, $0x3  }
0xe5: {  	v10 =	vadd.s32 v12, v10;
	v12 =	vand.u32 $0x1, v14;
	v14 =	vshrl.u32 v11, $0x4  }
0xe6: {  	v8 =	vld.idx.msk [tilespmem:v8+s2+$0x0], $0xffff;
	v10 =	vadd.s32 v12, v10;
	v12 =	vand.u32 $0x1, v14;
	v14 =	vshrl.u32 v11, $0x5  }
0xe7: {  	v10 =	vadd.s32 v12, v10;
	v12 =	vand.u32 $0x1, v14;
	v14 =	vshll.u32 v11, $0x19  }
0xe8: {  	v13 =	vld.idx.msk [tilespmem:v13+s2+$0x0], $0xffff;
	v10 =	vadd.s32 v12, v10;
	v12 =	vshra.s32 v14, $0x1F;
	v14 =	vshll.u32 v11, $0x18  }
0xe9: {  	v10 =	vadd.s32 v12, v10;
	v12 =	vshra.s32 v14, $0x1F;
	v14 =	vshll.u32 v11, $0x17  }
0xea: {  	v11 =	vshll.u32 v11, $0x16;
	v10 =	vadd.s32 v12, v10;
	v12 =	vshra.s32 v14, $0x1F  }
0xeb: {  	v8 =	vadd.f32 v8, v9;
	v9 =	vadd.s32 v12, v10;
	v10 =	vshra.s32 v11, $0x1F  }
0xec: {  	v9 =	vadd.s32 v10, v9  }
0xed: {  	v8 =	vadd.f32 v13, v8;
	v9 =	vcvt.s32.f32 v9  }
0xee: {  	s16 =	simm.s32 $0x0  }
0xef: {  	v8 =	vmul.f32 $4.999999890e-03, v8;
	v10 =	vadd.s32 s16, v5;
	v9 =	vmul.f32 $5.000000000e-01, v9;
	_ =	sdelay $0x1  }
0xf0: {  	v8 =	vadd.f32 v9, v8;
	_ =	sdelay $0x1  }
0xf1: {  	[tilespmem:$0x1ECC0] =	vst v8  }
0xf2: {  	v8 =	vld.idx.msk [tilespmem:v10+s8+$0x0], $0xffff;
	_ =	sdelay $0x2  }
0xf3: {  	s30 =	simm.s32 $0x1  }
0xf4: {  	v9 =	vadd.s32 s30, v5;
	_ =	sdelay $0x1  }
0xf5: {  	vm15 =	vlt.s32 v8, $0x3F  }
0xf6: {  	v12 =	vnsel vm15, $0x3F, v8  }
0xf7: {  	v10 =	vld.idx.msk [tilespmem:v8+s2+$0x0], $0xffff  }
0xf8: {  	v8 =	vld.idx.msk [tilespmem:v9+s8+$0x0], $0xffff;
	_ =	sdelay $0x1  }
0xf9: {  	s31 =	simm.s32 $0x2  }
0xfa: {  	v13 =	vadd.s32 s31, v5;
	v11 =	vimm.s32 $0x0;
	s16 =	simm.s32 $0x3;
	v9 =	vimm.f32 $0.0e+00;
	v12 =	vld.idx.msk [tilespmem:v12+s9+$0x0], $0xffff  }
.LBB2_12:
0xfb: {  	p0 =	sne.s32 s16, $0xC7;
	v9 =	vadd.f32 v10, v9  }
0xfc: {  	vm0 =	vlt.s32 v8, $0x3F  }
0xfd: {  	v14 =	vnsel vm0, $0x3F, v8  }
0xfe: {  	v10 =	vld.idx.msk [tilespmem:v8+s2+$0x0], $0xffff  }
.Ltmp5:
0xff: {  	v11 =	vor.u32 v11, v12;
	v8 =	vld.idx.msk [tilespmem:v13+s8+$0x0], $0xffff;
	(pc) =	sbr.rel @p0 .LBB2_12-.Ltmp5, $3  }
0x100: {  	_ =	sdelay $0x1  }
0x101: {  	v12 =	vld.idx.msk [tilespmem:v14+s9+$0x0], $0xffff  }
0x102: {  	v13 =	vadd.s32 s16, v5;
	s16 =	sadd.s32 $0x1, s16  }
0x103: {  	_ =	sdelay $0x3  }
0x104: {  	v13 =	vld.idx.msk [tilespmem:v13+s8+$0x0], $0xffff;
	_ =	sdelay $0x3  }
0x105: {  	vm0 =	vlt.s32 v8, $0x3F  }
0x106: {  	v14 =	vnsel vm0, $0x3F, v8;
	vm14 =	vlt.s32 v13, $0x3F  }
0x107: {  	v15 =	vnsel vm14, $0x3F, v13;
	_ =	sdelay $0x3  }
0x108: {  	v14 =	vld.idx.msk [tilespmem:v14+s9+$0x0], $0xffff  }
0x109: {  	v15 =	vld.idx.msk [tilespmem:v15+s9+$0x0], $0xffff;
	_ =	sdelay $0x2  }
0x10a: {  	v11 =	vor.u32 v11, v12  }
0x10b: {  	v11 =	vor.u32 v11, v14  }
0x10c: {  	v11 =	vor.u32 v11, v15  }
0x10d: {  	v9 =	vadd.f32 v10, v9;
	v10 =	vshrl.u32 v11, $0x1  }
0x10e: {  	v12 =	vand.u32 $0x1, v11;
	v14 =	vshrl.u32 v11, $0x2;
	v10 =	vand.u32 $0x1, v10  }
0x10f: {  	v10 =	vadd.s32 v12, v10;
	v12 =	vand.u32 $0x1, v14;
	v14 =	vshrl.u32 v11, $0x3  }
0x110: {  	v10 =	vadd.s32 v12, v10;
	v12 =	vand.u32 $0x1, v14;
	v14 =	vshrl.u32 v11, $0x4  }
0x111: {  	v8 =	vld.idx.msk [tilespmem:v8+s2+$0x0], $0xffff;
	v10 =	vadd.s32 v12, v10;
	v12 =	vand.u32 $0x1, v14;
	v14 =	vshrl.u32 v11, $0x5  }
0x112: {  	v10 =	vadd.s32 v12, v10;
	v12 =	vand.u32 $0x1, v14;
	v14 =	vshll.u32 v11, $0x19  }
0x113: {  	v13 =	vld.idx.msk [tilespmem:v13+s2+$0x0], $0xffff;
	v10 =	vadd.s32 v12, v10;
	v12 =	vshra.s32 v14, $0x1F;
	v14 =	vshll.u32 v11, $0x18  }
0x114: {  	v10 =	vadd.s32 v12, v10;
	v12 =	vshra.s32 v14, $0x1F;
	v14 =	vshll.u32 v11, $0x17  }
0x115: {  	v11 =	vshll.u32 v11, $0x16;
	v10 =	vadd.s32 v12, v10;
	v12 =	vshra.s32 v14, $0x1F  }
0x116: {  	v8 =	vadd.f32 v8, v9;
	v9 =	vadd.s32 v12, v10;
	v10 =	vshra.s32 v11, $0x1F  }
0x117: {  	v9 =	vadd.s32 v10, v9  }
0x118: {  	v8 =	vadd.f32 v13, v8;
	v9 =	vcvt.s32.f32 v9  }
0x119: {  	s16 =	simm.s32 $0x0  }
0x11a: {  	v8 =	vmul.f32 $4.999999890e-03, v8;
	v10 =	vadd.s32 s16, v6;
	v9 =	vmul.f32 $5.000000000e-01, v9;
	_ =	sdelay $0x1  }
0x11b: {  	v8 =	vadd.f32 v9, v8;
	_ =	sdelay $0x1  }
0x11c: {  	[tilespmem:$0x1ECD0] =	vst v8  }
0x11d: {  	v8 =	vld.idx.msk [tilespmem:v10+s8+$0x0], $0xffff;
	_ =	sdelay $0x2  }
0x11e: {  	s30 =	simm.s32 $0x1  }
0x11f: {  	v9 =	vadd.s32 s30, v6;
	_ =	sdelay $0x1  }
0x120: {  	vm15 =	vlt.s32 v8, $0x3F  }
0x121: {  	v12 =	vnsel vm15, $0x3F, v8  }
0x122: {  	v10 =	vld.idx.msk [tilespmem:v8+s2+$0x0], $0xffff  }
0x123: {  	v8 =	vld.idx.msk [tilespmem:v9+s8+$0x0], $0xffff;
	_ =	sdelay $0x1  }
0x124: {  	s31 =	simm.s32 $0x2  }
0x125: {  	v13 =	vadd.s32 s31, v6;
	v11 =	vimm.s32 $0x0;
	s16 =	simm.s32 $0x3;
	v9 =	vimm.f32 $0.0e+00;
	v12 =	vld.idx.msk [tilespmem:v12+s9+$0x0], $0xffff  }
.LBB2_14:
0x126: {  	p0 =	sne.s32 s16, $0xC7;
	v9 =	vadd.f32 v10, v9  }
0x127: {  	vm0 =	vlt.s32 v8, $0x3F  }
0x128: {  	v14 =	vnsel vm0, $0x3F, v8  }
0x129: {  	v10 =	vld.idx.msk [tilespmem:v8+s2+$0x0], $0xffff  }
.Ltmp6:
0x12a: {  	v11 =	vor.u32 v11, v12;
	v8 =	vld.idx.msk [tilespmem:v13+s8+$0x0], $0xffff;
	(pc) =	sbr.rel @p0 .LBB2_14-.Ltmp6, $3  }
0x12b: {  	_ =	sdelay $0x1  }
0x12c: {  	v12 =	vld.idx.msk [tilespmem:v14+s9+$0x0], $0xffff  }
0x12d: {  	v13 =	vadd.s32 s16, v6;
	s16 =	sadd.s32 $0x1, s16  }
0x12e: {  	_ =	sdelay $0x3  }
0x12f: {  	v13 =	vld.idx.msk [tilespmem:v13+s8+$0x0], $0xffff;
	_ =	sdelay $0x3  }
0x130: {  	vm0 =	vlt.s32 v8, $0x3F  }
0x131: {  	v14 =	vnsel vm0, $0x3F, v8;
	vm14 =	vlt.s32 v13, $0x3F  }
0x132: {  	v15 =	vnsel vm14, $0x3F, v13;
	_ =	sdelay $0x3  }
0x133: {  	v14 =	vld.idx.msk [tilespmem:v14+s9+$0x0], $0xffff  }
0x134: {  	v15 =	vld.idx.msk [tilespmem:v15+s9+$0x0], $0xffff;
	_ =	sdelay $0x2  }
0x135: {  	v11 =	vor.u32 v11, v12  }
0x136: {  	v11 =	vor.u32 v11, v14  }
0x137: {  	v11 =	vor.u32 v11, v15  }
0x138: {  	v9 =	vadd.f32 v10, v9;
	v10 =	vshrl.u32 v11, $0x1  }
0x139: {  	v12 =	vand.u32 $0x1, v11;
	v14 =	vshrl.u32 v11, $0x2;
	v10 =	vand.u32 $0x1, v10  }
0x13a: {  	v10 =	vadd.s32 v12, v10;
	v12 =	vand.u32 $0x1, v14;
	v14 =	vshrl.u32 v11, $0x3  }
0x13b: {  	v10 =	vadd.s32 v12, v10;
	v12 =	vand.u32 $0x1, v14;
	v14 =	vshrl.u32 v11, $0x4  }
0x13c: {  	v8 =	vld.idx.msk [tilespmem:v8+s2+$0x0], $0xffff;
	v10 =	vadd.s32 v12, v10;
	v12 =	vand.u32 $0x1, v14;
	v14 =	vshrl.u32 v11, $0x5  }
0x13d: {  	v10 =	vadd.s32 v12, v10;
	v12 =	vand.u32 $0x1, v14;
	v14 =	vshll.u32 v11, $0x19  }
0x13e: {  	v13 =	vld.idx.msk [tilespmem:v13+s2+$0x0], $0xffff;
	v10 =	vadd.s32 v12, v10;
	v12 =	vshra.s32 v14, $0x1F;
	v14 =	vshll.u32 v11, $0x18  }
0x13f: {  	v10 =	vadd.s32 v12, v10;
	v12 =	vshra.s32 v14, $0x1F;
	v14 =	vshll.u32 v11, $0x17  }
0x140: {  	v11 =	vshll.u32 v11, $0x16;
	v10 =	vadd.s32 v12, v10;
	v12 =	vshra.s32 v14, $0x1F  }
0x141: {  	v8 =	vadd.f32 v8, v9;
	v9 =	vadd.s32 v12, v10;
	v10 =	vshra.s32 v11, $0x1F  }
0x142: {  	v9 =	vadd.s32 v10, v9  }
0x143: {  	v8 =	vadd.f32 v13, v8;
	v9 =	vcvt.s32.f32 v9  }
0x144: {  	s16 =	simm.s32 $0x0  }
0x145: {  	v8 =	vmul.f32 $4.999999890e-03, v8;
	v10 =	vadd.s32 s16, v7;
	v9 =	vmul.f32 $5.000000000e-01, v9;
	_ =	sdelay $0x1  }
0x146: {  	v8 =	vadd.f32 v9, v8;
	_ =	sdelay $0x1  }
0x147: {  	[tilespmem:$0x1ECE0] =	vst v8  }
0x148: {  	v8 =	vld.idx.msk [tilespmem:v10+s8+$0x0], $0xffff;
	_ =	sdelay $0x2  }
0x149: {  	s30 =	simm.s32 $0x1  }
0x14a: {  	v9 =	vadd.s32 s30, v7;
	_ =	sdelay $0x1  }
0x14b: {  	vm15 =	vlt.s32 v8, $0x3F  }
0x14c: {  	v12 =	vnsel vm15, $0x3F, v8  }
0x14d: {  	v10 =	vld.idx.msk [tilespmem:v8+s2+$0x0], $0xffff  }
0x14e: {  	v8 =	vld.idx.msk [tilespmem:v9+s8+$0x0], $0xffff;
	_ =	sdelay $0x1  }
0x14f: {  	s31 =	simm.s32 $0x2  }
0x150: {  	v13 =	vadd.s32 s31, v7;
	v11 =	vimm.s32 $0x0;
	s16 =	simm.s32 $0x3;
	v9 =	vimm.f32 $0.0e+00;
	v12 =	vld.idx.msk [tilespmem:v12+s9+$0x0], $0xffff  }
.LBB2_16:
0x151: {  	p0 =	sne.s32 s16, $0xC7;
	v9 =	vadd.f32 v10, v9  }
0x152: {  	vm0 =	vlt.s32 v8, $0x3F  }
0x153: {  	v14 =	vnsel vm0, $0x3F, v8  }
0x154: {  	v10 =	vld.idx.msk [tilespmem:v8+s2+$0x0], $0xffff  }
.Ltmp7:
0x155: {  	v11 =	vor.u32 v11, v12;
	v8 =	vld.idx.msk [tilespmem:v13+s8+$0x0], $0xffff;
	(pc) =	sbr.rel @p0 .LBB2_16-.Ltmp7, $3  }
0x156: {  	_ =	sdelay $0x1  }
0x157: {  	v12 =	vld.idx.msk [tilespmem:v14+s9+$0x0], $0xffff  }
0x158: {  	v13 =	vadd.s32 s16, v7;
	s16 =	sadd.s32 $0x1, s16  }
0x159: {  	_ =	sdelay $0x3  }
0x15a: {  	v13 =	vld.idx.msk [tilespmem:v13+s8+$0x0], $0xffff;
	_ =	sdelay $0x3  }
0x15b: {  	vm0 =	vlt.s32 v8, $0x3F  }
0x15c: {  	v14 =	vnsel vm0, $0x3F, v8;
	vm15 =	vlt.s32 v13, $0x3F  }
0x15d: {  	v15 =	vnsel vm15, $0x3F, v13;
	_ =	sdelay $0x3  }
0x15e: {  	v14 =	vld.idx.msk [tilespmem:v14+s9+$0x0], $0xffff  }
0x15f: {  	v15 =	vld.idx.msk [tilespmem:v15+s9+$0x0], $0xffff;
	_ =	sdelay $0x2  }
0x160: {  	v11 =	vor.u32 v11, v12  }
0x161: {  	v11 =	vor.u32 v11, v14  }
0x162: {  	v11 =	vor.u32 v11, v15  }
0x163: {  	v9 =	vadd.f32 v10, v9;
	v46 =	vshrl.u32 v11, $0x1  }
0x164: {  	v47 =	vand.u32 $0x1, v11;
	v48 =	vshrl.u32 v11, $0x2;
	v10 =	vand.u32 $0x1, v46  }
0x165: {  	v50 =	vshrl.u32 v11, $0x3;
	v49 =	vand.u32 $0x1, v48;
	v10 =	vadd.s32 v47, v10  }
0x166: {  	v52 =	vshrl.u32 v11, $0x4;
	v51 =	vand.u32 $0x1, v50;
	v10 =	vadd.s32 v49, v10  }
0x167: {  	v8 =	vld.idx.msk [tilespmem:v8+s2+$0x0], $0xffff;
	v54 =	vshrl.u32 v11, $0x5;
	v53 =	vand.u32 $0x1, v52;
	v10 =	vadd.s32 v51, v10  }
0x168: {  	v56 =	vshll.u32 v11, $0x19;
	v55 =	vand.u32 $0x1, v54;
	v10 =	vadd.s32 v53, v10  }
0x169: {  	v13 =	vld.idx.msk [tilespmem:v13+s2+$0x0], $0xffff;
	v58 =	vshll.u32 v11, $0x18;
	v57 =	vshra.s32 v56, $0x1F;
	v10 =	vadd.s32 v55, v10  }
0x16a: {  	v60 =	vshll.u32 v11, $0x17;
	v59 =	vshra.s32 v58, $0x1F;
	v10 =	vadd.s32 v57, v10  }
0x16b: {  	v11 =	vshll.u32 v11, $0x16;
	v61 =	vshra.s32 v60, $0x1F;
	v10 =	vadd.s32 v59, v10  }
0x16c: {  	v8 =	vadd.f32 v8, v9;
	v63 =	vshra.s32 v11, $0x1F;
	v62 =	vadd.s32 v61, v10  }
0x16d: {  	v9 =	vadd.s32 v63, v62  }
0x16e: {  	v8 =	vadd.f32 v13, v8;
	v9 =	vcvt.s32.f32 v9;
	_ =	sdelay $0x1  }
0x16f: {  	v8 =	vmul.f32 $4.999999890e-03, v8;
	v9 =	vmul.f32 $5.000000000e-01, v9;
	_ =	sdelay $0x1  }
0x170: {  	s15 =	sadd.s32 $0x1, s15;
	v8 =	vadd.f32 v9, v8  }
0x171: {  	p0 =	sne.s32 s15, s7  }
.Ltmp8:
0x172: {  	[tilespmem:$0x1ECF0] =	vst v8;
	(pc) =	sbr.rel @p0 .LBB2_1-.Ltmp8, $4  }
0x173: {  	[hbm4b:s6+s2] =	stream.linear.scatter [tilespmem:s13], [sflag:$0x4], $0x80, $0x38;
	[tilespmem:$0x1ED00] =	vst v63  }
0x174: {  	_ =	swait.ge [sflag:s14], $0x80  }
0x175: {  	[sflag:s14] =	ssyncset.done $0x0  }
0x176: {  	[sflag:s14] =	ssyncadd.s32 $0xFFFFFF80  }
0x177: {  	_ =	sfence.sel $0x180000  }
0x178: {  	[bflag:$0x0] =	sbarrier.arrive $0xFFFF  }
0x179: {  	p0 =	sne.s32 s1, $0x0;
	_ =	strace $0x90000047  }
0x17a: {  	s0 =	sadd.s32 @!p0 $0x100000, s0;
	[bflag:$0x2] =	sbarrier.arrive $0xFFFF  }
0x17b: {  	[sflag:s0] =	ssyncadd.tile.s32 @!p0 $0x1;
	_ =	shalt  }
.Lfunc_end2:
_tile_overlayer_lowered:
.L_overlay_start_2:
0x17c: {  	(tag) =	ssettag $0x2  }
0x17d: {  	s0 =	rddreg [dreg:$0x0];
	s2 =	stileid.u32  }
0x17e: {  	s1 =	rddreg [dreg:$0x1];
	p0 =	sne.s32 s2, $0x0  }
0x17f: {  	s3 =	rddreg [dreg:$0x2];
	[bflag:$0x3] =	sbarrier.arrive $0xFFFF;
	s2 =	simm.s32 @!p0 $0x1C04  }
0x180: {  	[timem:s3], [sflag:s2] =	dma.local @!p0 [hbm:s0], s1  }
0x181: {  	s0 =	simm.s32 @!p0 $0x4  }
0x182: {  	_ =	swait.ge @!p0 [sflag:s0], s1  }
0x183: {  	s1 =	ssub.s32 @!p0 $0x0, s1;
	[sflag:s0] =	ssyncset.done @!p0 $0x0  }
0x184: {  	[sflag:s0] =	ssyncadd.s32 @!p0 s1  }
0x185: {  	[bflag:$0x3] =	sbarrier.arrive $0xFFFF  }
0x186: {  	_ =	shalt  }

</sc_bundles>
